<compile_context>
chip_gen: v7x
topology: tpu7x:2x2x1
jax: 0.10.2.dev20260603
libtpu: 0.0.44.dev20260713+nightly
codegen_flags: <defaults>
</compile_context>

<pallas_src>
import functools

import jax
import jax.numpy as jnp
from jax import lax
from jax.experimental import pallas as pl
from jax.experimental.pallas import tpu as pltpu
from jax.experimental.pallas import tpu_sc as plsc

_T = 8192
_N = 2048
_NU = 1536

_NC = 2
_NS = 16
_NW = _NC * _NS
_R = 4
_ROWS_PER_W = _T // _NW
_CHUNKS = _ROWS_PER_W // _R
_NJV = _NU // 16
_NOBS = 8
_NUN = 4
_D = 4

_mesh = plsc.VectorSubcoreMesh(core_axis_name="c", subcore_axis_name="s")


@functools.partial(
    pl.kernel,
    mesh=_mesh,
    out_type=jax.ShapeDtypeStruct((_T, _N), jnp.float32),
    compiler_params=pltpu.CompilerParams(needs_layout_passes=False),
    scratch_types=(
        [pltpu.VMEM((_R, _N), jnp.float32) for _ in range(_NOBS)]
        + [pltpu.VMEM((_R, _NU), jnp.float32) for _ in range(_NUN)]
        + [pltpu.VMEM((_NU,), jnp.int32)]
        + [pltpu.SemaphoreType.DMA for _ in range(_NOBS + _NUN + _NOBS)]
    ),
)
def _assemble(uobs_hbm, uunobs_hbm, cidx_hbm, out_hbm,
              obs0, obs1, obs2, obs3, obs4, obs5, obs6, obs7,
              un0, un1, un2, un3, cidx_v,
              iob0, iob1, iob2, iob3, iob4, iob5, iob6, iob7,
              iun0, iun1, iun2, iun3,
              osem0, osem1, osem2, osem3, osem4, osem5, osem6, osem7):
    obs = (obs0, obs1, obs2, obs3, obs4, obs5, obs6, obs7)
    un = (un0, un1, un2, un3)
    iob = (iob0, iob1, iob2, iob3, iob4, iob5, iob6, iob7)
    iun = (iun0, iun1, iun2, iun3)
    osem = (osem0, osem1, osem2, osem3, osem4, osem5, osem6, osem7)

    wid = lax.axis_index("s") * _NC + lax.axis_index("c")
    row0 = wid * _ROWS_PER_W

    def start_in(g, jo, ju):
        base = row0 + g * _R
        pltpu.async_copy(uobs_hbm.at[pl.ds(base, _R), :], obs[jo], iob[jo])
        pltpu.async_copy(uunobs_hbm.at[pl.ds(base, _R), :], un[ju], iun[ju])

    def wait_in(g, jo, ju):
        base = row0 + g * _R
        pltpu.make_async_copy(uobs_hbm.at[pl.ds(base, _R), :],
                              obs[jo], iob[jo]).wait()
        pltpu.make_async_copy(uunobs_hbm.at[pl.ds(base, _R), :],
                              un[ju], iun[ju]).wait()

    def start_out(g, jo):
        base = row0 + g * _R
        pltpu.async_copy(obs[jo], out_hbm.at[pl.ds(base, _R), :], osem[jo])

    def wait_out(g, jo):
        base = row0 + g * _R
        pltpu.make_async_copy(obs[jo], out_hbm.at[pl.ds(base, _R), :],
                              osem[jo]).wait()

    for g0 in range(_D):
        start_in(g0, g0, g0 % _NUN)
    pltpu.sync_copy(cidx_hbm, cidx_v)

    rivs = [jnp.full((16,), r, jnp.int32) for r in range(_R)]

    def scatter(jo, ju):
        obs_v = obs[jo]
        un_v = un[ju]

        @plsc.parallel_loop(0, _NJV, unroll=1)
        def body(j):
            off = j * 16
            civ = cidx_v[pl.ds(off, 16)]
            for r in range(_R):
                vv = un_v[r, pl.ds(off, 16)]
                plsc.addupdate_scatter(obs_v, [rivs[r], civ], vv)

    def outer(k, carry):
        for j in range(_NOBS):
            g = _NOBS * k + j
            jo = j
            ju = j % _NUN
            wait_in(g, jo, ju)
            scatter(jo, ju)
            start_out(g, jo)
            jp = (j + _D) % _NOBS
            if j < _D:
                @pl.when(k >= 1)
                def _():
                    wait_out(g - _D, jp)
                start_in(g + _D, jp, ju)
            else:
                @pl.when(k < (_CHUNKS // _NOBS) - 1)
                def _():
                    wait_out(g - _D, jp)
                    start_in(g + _D, jp, ju)
        return carry

    lax.fori_loop(0, _CHUNKS // _NOBS, outer, 0)

    for g in range(_CHUNKS - _NOBS, _CHUNKS):
        wait_out(g, g % _NOBS)


def kernel(u_obs, u_unobs, unobs_idx):
    return _assemble(u_obs, u_unobs, unobs_idx)

# --- scband reference (transcript-rebuilt; emitter-appended) ---
"""Pipeline reference for scband-worm-state-66451734003969 (READ-ONLY COPY).

The authoritative reference and input builder live on the scoring server;
editing this copy changes nothing except your own understanding.
"""

import jax, jax.numpy as jnp
import numpy as np

T = 8192
N = 2048
N_UNOBS = 1536


def setup_inputs(seed: int = 0) -> dict:
    key = jax.random.key(seed)
    k1, k2, k3 = jax.random.split(key, 3)
    # Observed trajectory buffer u_obs: (T, N) with zeros implicitly at unobserved cols
    u_obs = jax.random.normal(k1, (T, N), dtype=jnp.float32)
    # Learned free parameter u_unobs: (T, N_unobs)
    u_unobs = jax.random.normal(k2, (T, N_UNOBS), dtype=jnp.float32) * 0.1
    # Unique, sorted unobserved column indices (index_copy requires unique indices)
    unobs_idx = jnp.sort(jax.random.permutation(k3, N)[:N_UNOBS]).astype(jnp.int32)
    return {"u_obs": u_obs, "u_unobs": u_unobs, "unobs_idx": unobs_idx}


def reference(u_obs, u_unobs, unobs_idx):
    # Faithful translation of WormState.assemble(detach=False) in the default
    # (non-low-rank, infer_unobserved=True) configuration:
    #   zeros = torch.zeros(T, N)
    #   u_unobs_full = zeros.index_copy(1, unobs_idx, u_unobs)
    #   return u_obs + u_unobs_full
    Tn, Nn = u_obs.shape
    zeros = jnp.zeros((Tn, Nn), dtype=jnp.float32)
    # index_copy along dim 1 -> column scatter-overwrite
    u_unobs_full = zeros.at[:, unobs_idx].set(u_unobs)
    return u_obs + u_unobs_full

if __name__ == "__main__":
    import jax
    _d = setup_inputs()
    print(jax.jit(kernel)(*tuple(_d.values())))

</pallas_src>

<mosaic_0001>
#map = affine_map<(d0, d1) -> (0, 0)>
#map1 = affine_map<(d0, d1) -> (0)>
module attributes {stable_mosaic.version = 14 : i64} {
  func.func @_assemble(%arg0: i32, %arg1: i32, %arg2: memref<8192x2048xf32, #tpu.memory_space<hbm>>, %arg3: memref<8192x1536xf32, #tpu.memory_space<hbm>>, %arg4: memref<1536xi32, #tpu.memory_space<hbm>>, %arg5: memref<8192x2048xf32, #tpu.memory_space<hbm>>, %arg6: memref<4x2048xf32, #tpu.memory_space<vmem>>, %arg7: memref<4x2048xf32, #tpu.memory_space<vmem>>, %arg8: memref<4x2048xf32, #tpu.memory_space<vmem>>, %arg9: memref<4x2048xf32, #tpu.memory_space<vmem>>, %arg10: memref<4x2048xf32, #tpu.memory_space<vmem>>, %arg11: memref<4x2048xf32, #tpu.memory_space<vmem>>, %arg12: memref<4x2048xf32, #tpu.memory_space<vmem>>, %arg13: memref<4x2048xf32, #tpu.memory_space<vmem>>, %arg14: memref<4x1536xf32, #tpu.memory_space<vmem>>, %arg15: memref<4x1536xf32, #tpu.memory_space<vmem>>, %arg16: memref<4x1536xf32, #tpu.memory_space<vmem>>, %arg17: memref<4x1536xf32, #tpu.memory_space<vmem>>, %arg18: memref<1536xi32, #tpu.memory_space<vmem>>, %arg19: memref<!tpu.dma_semaphore, #tpu.memory_space<semaphore_mem>>, %arg20: memref<!tpu.dma_semaphore, #tpu.memory_space<semaphore_mem>>, %arg21: memref<!tpu.dma_semaphore, #tpu.memory_space<semaphore_mem>>, %arg22: memref<!tpu.dma_semaphore, #tpu.memory_space<semaphore_mem>>, %arg23: memref<!tpu.dma_semaphore, #tpu.memory_space<semaphore_mem>>, %arg24: memref<!tpu.dma_semaphore, #tpu.memory_space<semaphore_mem>>, %arg25: memref<!tpu.dma_semaphore, #tpu.memory_space<semaphore_mem>>, %arg26: memref<!tpu.dma_semaphore, #tpu.memory_space<semaphore_mem>>, %arg27: memref<!tpu.dma_semaphore, #tpu.memory_space<semaphore_mem>>, %arg28: memref<!tpu.dma_semaphore, #tpu.memory_space<semaphore_mem>>, %arg29: memref<!tpu.dma_semaphore, #tpu.memory_space<semaphore_mem>>, %arg30: memref<!tpu.dma_semaphore, #tpu.memory_space<semaphore_mem>>, %arg31: memref<!tpu.dma_semaphore, #tpu.memory_space<semaphore_mem>>, %arg32: memref<!tpu.dma_semaphore, #tpu.memory_space<semaphore_mem>>, %arg33: memref<!tpu.dma_semaphore, #tpu.memory_space<semaphore_mem>>, %arg34: memref<!tpu.dma_semaphore, #tpu.memory_space<semaphore_mem>>, %arg35: memref<!tpu.dma_semaphore, #tpu.memory_space<semaphore_mem>>, %arg36: memref<!tpu.dma_semaphore, #tpu.memory_space<semaphore_mem>>, %arg37: memref<!tpu.dma_semaphore, #tpu.memory_space<semaphore_mem>>, %arg38: memref<!tpu.dma_semaphore, #tpu.memory_space<semaphore_mem>>) attributes {dimension_semantics = [#tpu.dimension_semantics<core_parallel>, #tpu.dimension_semantics<subcore_parallel>], iteration_bounds = array<i64: 2, 16>, scalar_prefetch = 0 : i64, scratch_operands = 33 : i64, tpu.core_type = #tpu.core_type<sc_vector_subcore>, window_params = [{transform_indices = #map}, {transform_indices = #map}, {transform_indices = #map1}, {transform_indices = #map}]} {
    %mul3A = arith.constant 2 : i32
    %mul3A_0 = arith.muli %arg1, %mul3A : i32
    %add3A = arith.addi %mul3A_0, %arg0 : i32
    %mul3A_1 = arith.constant 256 : i32
    %mul3A_2 = arith.muli %add3A, %mul3A_1 : i32
    %add3A_3 = arith.constant 0 : i32
    %add3A_4 = arith.addi %mul3A_2, %add3A_3 : i32
    %dma_start3A = arith.constant 0 : i32
    %dma_start3A_5 = tpu.memref_slice %arg2[%add3A_4, %dma_start3A] : memref<8192x2048xf32, #tpu.memory_space<hbm>> -> memref<4x2048xf32, #tpu.memory_space<hbm>>
    %dma_start3A_6 = arith.constant 0 : i32
    %dma_start3A_7 = tpu.memref_slice %arg2[%add3A_4, %dma_start3A_6] : memref<8192x2048xf32, #tpu.memory_space<hbm>> -> memref<4x2048xf32, #tpu.memory_space<hbm>>
    tpu.enqueue_dma source(%dma_start3A_7 : memref<4x2048xf32, #tpu.memory_space<hbm>>) target(%arg6 : memref<4x2048xf32, #tpu.memory_space<vmem>>) target_semaphore(%arg19 : memref<!tpu.dma_semaphore, #tpu.memory_space<semaphore_mem>>)
    %dma_start3A_8 = arith.constant 0 : i32
    %dma_start3A_9 = tpu.memref_slice %arg3[%add3A_4, %dma_start3A_8] : memref<8192x1536xf32, #tpu.memory_space<hbm>> -> memref<4x1536xf32, #tpu.memory_space<hbm>>
    %dma_start3A_10 = arith.constant 0 : i32
    %dma_start3A_11 = tpu.memref_slice %arg3[%add3A_4, %dma_start3A_10] : memref<8192x1536xf32, #tpu.memory_space<hbm>> -> memref<4x1536xf32, #tpu.memory_space<hbm>>
    tpu.enqueue_dma source(%dma_start3A_11 : memref<4x1536xf32, #tpu.memory_space<hbm>>) target(%arg14 : memref<4x1536xf32, #tpu.memory_space<vmem>>) target_semaphore(%arg27 : memref<!tpu.dma_semaphore, #tpu.memory_space<semaphore_mem>>)
    %add3A_12 = arith.constant 4 : i32
    %add3A_13 = arith.addi %mul3A_2, %add3A_12 : i32
    %dma_start3A_14 = arith.constant 0 : i32
    %dma_start3A_15 = tpu.memref_slice %arg2[%add3A_13, %dma_start3A_14] : memref<8192x2048xf32, #tpu.memory_space<hbm>> -> memref<4x2048xf32, #tpu.memory_space<hbm>>
    %dma_start3A_16 = arith.constant 0 : i32
    %dma_start3A_17 = tpu.memref_slice %arg2[%add3A_13, %dma_start3A_16] : memref<8192x2048xf32, #tpu.memory_space<hbm>> -> memref<4x2048xf32, #tpu.memory_space<hbm>>
    tpu.enqueue_dma source(%dma_start3A_17 : memref<4x2048xf32, #tpu.memory_space<hbm>>) target(%arg7 : memref<4x2048xf32, #tpu.memory_space<vmem>>) target_semaphore(%arg20 : memref<!tpu.dma_semaphore, #tpu.memory_space<semaphore_mem>>)
    %dma_start3A_18 = arith.constant 0 : i32
    %dma_start3A_19 = tpu.memref_slice %arg3[%add3A_13, %dma_start3A_18] : memref<8192x1536xf32, #tpu.memory_space<hbm>> -> memref<4x1536xf32, #tpu.memory_space<hbm>>
    %dma_start3A_20 = arith.constant 0 : i32
    %dma_start3A_21 = tpu.memref_slice %arg3[%add3A_13, %dma_start3A_20] : memref<8192x1536xf32, #tpu.memory_space<hbm>> -> memref<4x1536xf32, #tpu.memory_space<hbm>>
    tpu.enqueue_dma source(%dma_start3A_21 : memref<4x1536xf32, #tpu.memory_space<hbm>>) target(%arg15 : memref<4x1536xf32, #tpu.memory_space<vmem>>) target_semaphore(%arg28 : memref<!tpu.dma_semaphore, #tpu.memory_space<semaphore_mem>>)
    %add3A_22 = arith.constant 8 : i32
    %add3A_23 = arith.addi %mul3A_2, %add3A_22 : i32
    %dma_start3A_24 = arith.constant 0 : i32
    %dma_start3A_25 = tpu.memref_slice %arg2[%add3A_23, %dma_start3A_24] : memref<8192x2048xf32, #tpu.memory_space<hbm>> -> memref<4x2048xf32, #tpu.memory_space<hbm>>
    %dma_start3A_26 = arith.constant 0 : i32
    %dma_start3A_27 = tpu.memref_slice %arg2[%add3A_23, %dma_start3A_26] : memref<8192x2048xf32, #tpu.memory_space<hbm>> -> memref<4x2048xf32, #tpu.memory_space<hbm>>
    tpu.enqueue_dma source(%dma_start3A_27 : memref<4x2048xf32, #tpu.memory_space<hbm>>) target(%arg8 : memref<4x2048xf32, #tpu.memory_space<vmem>>) target_semaphore(%arg21 : memref<!tpu.dma_semaphore, #tpu.memory_space<semaphore_mem>>)
    %dma_start3A_28 = arith.constant 0 : i32
    %dma_start3A_29 = tpu.memref_slice %arg3[%add3A_23, %dma_start3A_28] : memref<8192x1536xf32, #tpu.memory_space<hbm>> -> memref<4x1536xf32, #tpu.memory_space<hbm>>
    %dma_start3A_30 = arith.constant 0 : i32
    %dma_start3A_31 = tpu.memref_slice %arg3[%add3A_23, %dma_start3A_30] : memref<8192x1536xf32, #tpu.memory_space<hbm>> -> memref<4x1536xf32, #tpu.memory_space<hbm>>
    tpu.enqueue_dma source(%dma_start3A_31 : memref<4x1536xf32, #tpu.memory_space<hbm>>) target(%arg16 : memref<4x1536xf32, #tpu.memory_space<vmem>>) target_semaphore(%arg29 : memref<!tpu.dma_semaphore, #tpu.memory_space<semaphore_mem>>)
    %add3A_32 = arith.constant 12 : i32
    %add3A_33 = arith.addi %mul3A_2, %add3A_32 : i32
    %dma_start3A_34 = arith.constant 0 : i32
    %dma_start3A_35 = tpu.memref_slice %arg2[%add3A_33, %dma_start3A_34] : memref<8192x2048xf32, #tpu.memory_space<hbm>> -> memref<4x2048xf32, #tpu.memory_space<hbm>>
    %dma_start3A_36 = arith.constant 0 : i32
    %dma_start3A_37 = tpu.memref_slice %arg2[%add3A_33, %dma_start3A_36] : memref<8192x2048xf32, #tpu.memory_space<hbm>> -> memref<4x2048xf32, #tpu.memory_space<hbm>>
    tpu.enqueue_dma source(%dma_start3A_37 : memref<4x2048xf32, #tpu.memory_space<hbm>>) target(%arg9 : memref<4x2048xf32, #tpu.memory_space<vmem>>) target_semaphore(%arg22 : memref<!tpu.dma_semaphore, #tpu.memory_space<semaphore_mem>>)
    %dma_start3A_38 = arith.constant 0 : i32
    %dma_start3A_39 = tpu.memref_slice %arg3[%add3A_33, %dma_start3A_38] : memref<8192x1536xf32, #tpu.memory_space<hbm>> -> memref<4x1536xf32, #tpu.memory_space<hbm>>
    %dma_start3A_40 = arith.constant 0 : i32
    %dma_start3A_41 = tpu.memref_slice %arg3[%add3A_33, %dma_start3A_40] : memref<8192x1536xf32, #tpu.memory_space<hbm>> -> memref<4x1536xf32, #tpu.memory_space<hbm>>
    tpu.enqueue_dma source(%dma_start3A_41 : memref<4x1536xf32, #tpu.memory_space<hbm>>) target(%arg17 : memref<4x1536xf32, #tpu.memory_space<vmem>>) target_semaphore(%arg30 : memref<!tpu.dma_semaphore, #tpu.memory_space<semaphore_mem>>)
    "tpu.region"() ({
      %run_scoped3A = tpu.sem_alloc : memref<!tpu.dma_semaphore, #tpu.memory_space<semaphore_mem>>
      tpu.enqueue_dma source(%arg4 : memref<1536xi32, #tpu.memory_space<hbm>>) target(%arg18 : memref<1536xi32, #tpu.memory_space<vmem>>) target_semaphore(%run_scoped3A : memref<!tpu.dma_semaphore, #tpu.memory_space<semaphore_mem>>)
      tpu.wait_dma2 semaphore(%run_scoped3A : memref<!tpu.dma_semaphore, #tpu.memory_space<semaphore_mem>>) src(%arg4 : memref<1536xi32, #tpu.memory_space<hbm>>) dst(%arg18 : memref<1536xi32, #tpu.memory_space<vmem>>)
      tpu.yield
    }) : () -> ()
    %broadcast_in_dim3A = arith.constant 0 : i32
    %broadcast_in_dim3A_42 = vector.broadcast %broadcast_in_dim3A : i32 to vector<16xi32>
    %broadcast_in_dim3A_43 = arith.constant 1 : i32
    %broadcast_in_dim3A_44 = vector.broadcast %broadcast_in_dim3A_43 : i32 to vector<16xi32>
    %broadcast_in_dim3A_45 = arith.constant 2 : i32
    %broadcast_in_dim3A_46 = vector.broadcast %broadcast_in_dim3A_45 : i32 to vector<16xi32>
    %broadcast_in_dim3A_47 = arith.constant 3 : i32
    %broadcast_in_dim3A_48 = vector.broadcast %broadcast_in_dim3A_47 : i32 to vector<16xi32>
    %scan3A = arith.constant 0 : i32
    %scan3A_49 = arith.constant 0 : i32
    %scan3A_50 = arith.constant 8 : i32
    %scan3A_51 = arith.addi %scan3A_49, %scan3A_50 : i32
    %scan3A_52 = arith.constant 1 : i32
    scf.for %scan3A_101 = %scan3A_49 to %scan3A_51 step %scan3A_52  : i32 {
      %mul3A_102 = arith.constant 8 : i32
      %mul3A_103 = arith.muli %mul3A_102, %scan3A_101 : i32
      %add3A_104 = arith.constant 0 : i32
      %add3A_105 = arith.addi %mul3A_103, %add3A_104 : i32
      %mul3A_106 = arith.constant 4 : i32
      %mul3A_107 = arith.muli %add3A_105, %mul3A_106 : i32
      %add3A_108 = arith.addi %mul3A_2, %mul3A_107 : i32
      %dma_wait3A_109 = arith.constant 0 : i32
      %dma_wait3A_110 = tpu.memref_slice %arg2[%add3A_108, %dma_wait3A_109] : memref<8192x2048xf32, #tpu.memory_space<hbm>> -> memref<4x2048xf32, #tpu.memory_space<hbm>>
      %dma_wait3A_111 = arith.constant 0 : i32
      %dma_wait3A_112 = tpu.memref_slice %arg2[%add3A_108, %dma_wait3A_111] : memref<8192x2048xf32, #tpu.memory_space<hbm>> -> memref<4x2048xf32, #tpu.memory_space<hbm>>
      tpu.wait_dma2 semaphore(%arg19 : memref<!tpu.dma_semaphore, #tpu.memory_space<semaphore_mem>>) src(%dma_wait3A_112 : memref<4x2048xf32, #tpu.memory_space<hbm>>) dst(%arg6 : memref<4x2048xf32, #tpu.memory_space<vmem>>)
      %dma_wait3A_113 = arith.constant 0 : i32
      %dma_wait3A_114 = tpu.memref_slice %arg3[%add3A_108, %dma_wait3A_113] : memref<8192x1536xf32, #tpu.memory_space<hbm>> -> memref<4x1536xf32, #tpu.memory_space<hbm>>
      %dma_wait3A_115 = arith.constant 0 : i32
      %dma_wait3A_116 = tpu.memref_slice %arg3[%add3A_108, %dma_wait3A_115] : memref<8192x1536xf32, #tpu.memory_space<hbm>> -> memref<4x1536xf32, #tpu.memory_space<hbm>>
      tpu.wait_dma2 semaphore(%arg27 : memref<!tpu.dma_semaphore, #tpu.memory_space<semaphore_mem>>) src(%dma_wait3A_116 : memref<4x1536xf32, #tpu.memory_space<hbm>>) dst(%arg14 : memref<4x1536xf32, #tpu.memory_space<vmem>>)
      %parallel_loop3A = arith.constant 0 : i32
      %parallel_loop3A_117 = arith.constant 96 : i32
      %parallel_loop3A_118 = arith.constant 1 : i32
      scf.for %parallel_loop3A_389 = %parallel_loop3A to %parallel_loop3A_117 step %parallel_loop3A_118  : i32 {
        %parallel_loop3A_390 = arith.constant 16 : i32
        %parallel_loop3A_391 = arith.muli %parallel_loop3A_389, %parallel_loop3A_390 : i32
        %parallel_loop3A_392 = arith.index_cast %parallel_loop3A_391 : i32 to index
        %parallel_loop3A_393 = tpu.vector_load %arg18[%parallel_loop3A_392] {strides = array<i32>} : memref<1536xi32, #tpu.memory_space<vmem>>, vector<16xi32>,
        %parallel_loop3A_394 = arith.constant 0 : i32
        %parallel_loop3A_395 = arith.index_cast %parallel_loop3A_394 : i32 to index
        %parallel_loop3A_396 = arith.index_cast %parallel_loop3A_391 : i32 to index
        %parallel_loop3A_397 = tpu.vector_load %arg14[%parallel_loop3A_395, %parallel_loop3A_396] {strides = array<i32>} : memref<4x1536xf32, #tpu.memory_space<vmem>>, vector<16xf32>,
        tpu.vector_store_idx %arg6[%broadcast_in_dim3A_42, %parallel_loop3A_393], %parallel_loop3A_397 {add = true} : memref<4x2048xf32, #tpu.memory_space<vmem>>[vector<16xi32>, vector<16xi32>], vector<16xf32>,
        %parallel_loop3A_398 = arith.constant 1 : i32
        %parallel_loop3A_399 = arith.index_cast %parallel_loop3A_398 : i32 to index
        %parallel_loop3A_400 = arith.index_cast %parallel_loop3A_391 : i32 to index
        %parallel_loop3A_401 = tpu.vector_load %arg14[%parallel_loop3A_399, %parallel_loop3A_400] {strides = array<i32>} : memref<4x1536xf32, #tpu.memory_space<vmem>>, vector<16xf32>,
        tpu.vector_store_idx %arg6[%broadcast_in_dim3A_44, %parallel_loop3A_393], %parallel_loop3A_401 {add = true} : memref<4x2048xf32, #tpu.memory_space<vmem>>[vector<16xi32>, vector<16xi32>], vector<16xf32>,
        %parallel_loop3A_402 = arith.constant 2 : i32
        %parallel_loop3A_403 = arith.index_cast %parallel_loop3A_402 : i32 to index
        %parallel_loop3A_404 = arith.index_cast %parallel_loop3A_391 : i32 to index
        %parallel_loop3A_405 = tpu.vector_load %arg14[%parallel_loop3A_403, %parallel_loop3A_404] {strides = array<i32>} : memref<4x1536xf32, #tpu.memory_space<vmem>>, vector<16xf32>,
        tpu.vector_store_idx %arg6[%broadcast_in_dim3A_46, %parallel_loop3A_393], %parallel_loop3A_405 {add = true} : memref<4x2048xf32, #tpu.memory_space<vmem>>[vector<16xi32>, vector<16xi32>], vector<16xf32>,
        %parallel_loop3A_406 = arith.constant 3 : i32
        %parallel_loop3A_407 = arith.index_cast %parallel_loop3A_406 : i32 to index
        %parallel_loop3A_408 = arith.index_cast %parallel_loop3A_391 : i32 to index
        %parallel_loop3A_409 = tpu.vector_load %arg14[%parallel_loop3A_407, %parallel_loop3A_408] {strides = array<i32>} : memref<4x1536xf32, #tpu.memory_space<vmem>>, vector<16xf32>,
        tpu.vector_store_idx %arg6[%broadcast_in_dim3A_48, %parallel_loop3A_393], %parallel_loop3A_409 {add = true} : memref<4x2048xf32, #tpu.memory_space<vmem>>[vector<16xi32>, vector<16xi32>], vector<16xf32>,
      } {sc.loop_unroll_factor = 1 : i64, sc.parallel_access}
      %mul3A_119 = arith.constant 4 : i32
      %mul3A_120 = arith.muli %add3A_105, %mul3A_119 : i32
      %add3A_121 = arith.addi %mul3A_2, %mul3A_120 : i32
      %dma_start3A_122 = arith.constant 0 : i32
      %dma_start3A_123 = tpu.memref_slice %arg5[%add3A_121, %dma_start3A_122] : memref<8192x2048xf32, #tpu.memory_space<hbm>> -> memref<4x2048xf32, #tpu.memory_space<hbm>>
      %dma_start3A_124 = arith.constant 0 : i32
      %dma_start3A_125 = tpu.memref_slice %arg5[%add3A_121, %dma_start3A_124] : memref<8192x2048xf32, #tpu.memory_space<hbm>> -> memref<4x2048xf32, #tpu.memory_space<hbm>>
      tpu.enqueue_dma source(%arg6 : memref<4x2048xf32, #tpu.memory_space<vmem>>) target(%dma_start3A_125 : memref<4x2048xf32, #tpu.memory_space<hbm>>) target_semaphore(%arg31 : memref<!tpu.dma_semaphore, #tpu.memory_space<semaphore_mem>>)
      %ge3A = arith.constant 1 : i32
      %ge3A_126 = arith.cmpi sge, %scan3A_101, %ge3A : i32
      %convert_element_type3A = arith.extui %ge3A_126 : i1 to i32
      %cond3A = arith.constant 0 : i32
      %cond3A_127 = arith.cmpi ne, %convert_element_type3A, %cond3A : i32
      scf.if %cond3A_127 {
        %sub3A = arith.constant 4 : i32
        %sub3A_389 = arith.subi %add3A_105, %sub3A : i32
        %mul3A_390 = arith.constant 4 : i32
        %mul3A_391 = arith.muli %sub3A_389, %mul3A_390 : i32
        %add3A_392 = arith.addi %mul3A_2, %mul3A_391 : i32
        %dma_wait3A_393 = arith.constant 0 : i32
        %dma_wait3A_394 = tpu.memref_slice %arg5[%add3A_392, %dma_wait3A_393] : memref<8192x2048xf32, #tpu.memory_space<hbm>> -> memref<4x2048xf32, #tpu.memory_space<hbm>>
        %dma_wait3A_395 = arith.constant 0 : i32
        %dma_wait3A_396 = tpu.memref_slice %arg5[%add3A_392, %dma_wait3A_395] : memref<8192x2048xf32, #tpu.memory_space<hbm>> -> memref<4x2048xf32, #tpu.memory_space<hbm>>
        tpu.wait_dma2 semaphore(%arg35 : memref<!tpu.dma_semaphore, #tpu.memory_space<semaphore_mem>>) src(%arg10 : memref<4x2048xf32, #tpu.memory_space<vmem>>) dst(%dma_wait3A_396 : memref<4x2048xf32, #tpu.memory_space<hbm>>)
      } else {
      }
      %add3A_128 = arith.constant 4 : i32
      %add3A_129 = arith.addi %add3A_105, %add3A_128 : i32
      %mul3A_130 = arith.constant 4 : i32
      %mul3A_131 = arith.muli %add3A_129, %mul3A_130 : i32
      %add3A_132 = arith.addi %mul3A_2, %mul3A_131 : i32
      %dma_start3A_133 = arith.constant 0 : i32
      %dma_start3A_134 = tpu.memref_slice %arg2[%add3A_132, %dma_start3A_133] : memref<8192x2048xf32, #tpu.memory_space<hbm>> -> memref<4x2048xf32, #tpu.memory_space<hbm>>
      %dma_start3A_135 = arith.constant 0 : i32
      %dma_start3A_136 = tpu.memref_slice %arg2[%add3A_132, %dma_start3A_135] : memref<8192x2048xf32, #tpu.memory_space<hbm>> -> memref<4x2048xf32, #tpu.memory_space<hbm>>
      tpu.enqueue_dma source(%dma_start3A_136 : memref<4x2048xf32, #tpu.memory_space<hbm>>) target(%arg10 : memref<4x2048xf32, #tpu.memory_space<vmem>>) target_semaphore(%arg23 : memref<!tpu.dma_semaphore, #tpu.memory_space<semaphore_mem>>)
      %dma_start3A_137 = arith.constant 0 : i32
      %dma_start3A_138 = tpu.memref_slice %arg3[%add3A_132, %dma_start3A_137] : memref<8192x1536xf32, #tpu.memory_space<hbm>> -> memref<4x1536xf32, #tpu.memory_space<hbm>>
      %dma_start3A_139 = arith.constant 0 : i32
      %dma_start3A_140 = tpu.memref_slice %arg3[%add3A_132, %dma_start3A_139] : memref<8192x1536xf32, #tpu.memory_space<hbm>> -> memref<4x1536xf32, #tpu.memory_space<hbm>>
      tpu.enqueue_dma source(%dma_start3A_140 : memref<4x1536xf32, #tpu.memory_space<hbm>>) target(%arg14 : memref<4x1536xf32, #tpu.memory_space<vmem>>) target_semaphore(%arg27 : memref<!tpu.dma_semaphore, #tpu.memory_space<semaphore_mem>>)
      %mul3A_141 = arith.constant 8 : i32
      %mul3A_142 = arith.muli %mul3A_141, %scan3A_101 : i32
      %add3A_143 = arith.constant 1 : i32
      %add3A_144 = arith.addi %mul3A_142, %add3A_143 : i32
      %mul3A_145 = arith.constant 4 : i32
      %mul3A_146 = arith.muli %add3A_144, %mul3A_145 : i32
      %add3A_147 = arith.addi %mul3A_2, %mul3A_146 : i32
      %dma_wait3A_148 = arith.constant 0 : i32
      %dma_wait3A_149 = tpu.memref_slice %arg2[%add3A_147, %dma_wait3A_148] : memref<8192x2048xf32, #tpu.memory_space<hbm>> -> memref<4x2048xf32, #tpu.memory_space<hbm>>
      %dma_wait3A_150 = arith.constant 0 : i32
      %dma_wait3A_151 = tpu.memref_slice %arg2[%add3A_147, %dma_wait3A_150] : memref<8192x2048xf32, #tpu.memory_space<hbm>> -> memref<4x2048xf32, #tpu.memory_space<hbm>>
      tpu.wait_dma2 semaphore(%arg20 : memref<!tpu.dma_semaphore, #tpu.memory_space<semaphore_mem>>) src(%dma_wait3A_151 : memref<4x2048xf32, #tpu.memory_space<hbm>>) dst(%arg7 : memref<4x2048xf32, #tpu.memory_space<vmem>>)
      %dma_wait3A_152 = arith.constant 0 : i32
      %dma_wait3A_153 = tpu.memref_slice %arg3[%add3A_147, %dma_wait3A_152] : memref<8192x1536xf32, #tpu.memory_space<hbm>> -> memref<4x1536xf32, #tpu.memory_space<hbm>>
      %dma_wait3A_154 = arith.constant 0 : i32
      %dma_wait3A_155 = tpu.memref_slice %arg3[%add3A_147, %dma_wait3A_154] : memref<8192x1536xf32, #tpu.memory_space<hbm>> -> memref<4x1536xf32, #tpu.memory_space<hbm>>
      tpu.wait_dma2 semaphore(%arg28 : memref<!tpu.dma_semaphore, #tpu.memory_space<semaphore_mem>>) src(%dma_wait3A_155 : memref<4x1536xf32, #tpu.memory_space<hbm>>) dst(%arg15 : memref<4x1536xf32, #tpu.memory_space<vmem>>)
      %parallel_loop3A_156 = arith.constant 0 : i32
      %parallel_loop3A_157 = arith.constant 96 : i32
      %parallel_loop3A_158 = arith.constant 1 : i32
      scf.for %parallel_loop3A_389 = %parallel_loop3A_156 to %parallel_loop3A_157 step %parallel_loop3A_158  : i32 {
        %parallel_loop3A_390 = arith.constant 16 : i32
        %parallel_loop3A_391 = arith.muli %parallel_loop3A_389, %parallel_loop3A_390 : i32
        %parallel_loop3A_392 = arith.index_cast %parallel_loop3A_391 : i32 to index
        %parallel_loop3A_393 = tpu.vector_load %arg18[%parallel_loop3A_392] {strides = array<i32>} : memref<1536xi32, #tpu.memory_space<vmem>>, vector<16xi32>,
        %parallel_loop3A_394 = arith.constant 0 : i32
        %parallel_loop3A_395 = arith.index_cast %parallel_loop3A_394 : i32 to index
        %parallel_loop3A_396 = arith.index_cast %parallel_loop3A_391 : i32 to index
        %parallel_loop3A_397 = tpu.vector_load %arg15[%parallel_loop3A_395, %parallel_loop3A_396] {strides = array<i32>} : memref<4x1536xf32, #tpu.memory_space<vmem>>, vector<16xf32>,
        tpu.vector_store_idx %arg7[%broadcast_in_dim3A_42, %parallel_loop3A_393], %parallel_loop3A_397 {add = true} : memref<4x2048xf32, #tpu.memory_space<vmem>>[vector<16xi32>, vector<16xi32>], vector<16xf32>,
        %parallel_loop3A_398 = arith.constant 1 : i32
        %parallel_loop3A_399 = arith.index_cast %parallel_loop3A_398 : i32 to index
        %parallel_loop3A_400 = arith.index_cast %parallel_loop3A_391 : i32 to index
        %parallel_loop3A_401 = tpu.vector_load %arg15[%parallel_loop3A_399, %parallel_loop3A_400] {strides = array<i32>} : memref<4x1536xf32, #tpu.memory_space<vmem>>, vector<16xf32>,
        tpu.vector_store_idx %arg7[%broadcast_in_dim3A_44, %parallel_loop3A_393], %parallel_loop3A_401 {add = true} : memref<4x2048xf32, #tpu.memory_space<vmem>>[vector<16xi32>, vector<16xi32>], vector<16xf32>,
        %parallel_loop3A_402 = arith.constant 2 : i32
        %parallel_loop3A_403 = arith.index_cast %parallel_loop3A_402 : i32 to index
        %parallel_loop3A_404 = arith.index_cast %parallel_loop3A_391 : i32 to index
        %parallel_loop3A_405 = tpu.vector_load %arg15[%parallel_loop3A_403, %parallel_loop3A_404] {strides = array<i32>} : memref<4x1536xf32, #tpu.memory_space<vmem>>, vector<16xf32>,
        tpu.vector_store_idx %arg7[%broadcast_in_dim3A_46, %parallel_loop3A_393], %parallel_loop3A_405 {add = true} : memref<4x2048xf32, #tpu.memory_space<vmem>>[vector<16xi32>, vector<16xi32>], vector<16xf32>,
        %parallel_loop3A_406 = arith.constant 3 : i32
        %parallel_loop3A_407 = arith.index_cast %parallel_loop3A_406 : i32 to index
        %parallel_loop3A_408 = arith.index_cast %parallel_loop3A_391 : i32 to index
        %parallel_loop3A_409 = tpu.vector_load %arg15[%parallel_loop3A_407, %parallel_loop3A_408] {strides = array<i32>} : memref<4x1536xf32, #tpu.memory_space<vmem>>, vector<16xf32>,
        tpu.vector_store_idx %arg7[%broadcast_in_dim3A_48, %parallel_loop3A_393], %parallel_loop3A_409 {add = true} : memref<4x2048xf32, #tpu.memory_space<vmem>>[vector<16xi32>, vector<16xi32>], vector<16xf32>,
      } {sc.loop_unroll_factor = 1 : i64, sc.parallel_access}
      %mul3A_159 = arith.constant 4 : i32
      %mul3A_160 = arith.muli %add3A_144, %mul3A_159 : i32
      %add3A_161 = arith.addi %mul3A_2, %mul3A_160 : i32
      %dma_start3A_162 = arith.constant 0 : i32
      %dma_start3A_163 = tpu.memref_slice %arg5[%add3A_161, %dma_start3A_162] : memref<8192x2048xf32, #tpu.memory_space<hbm>> -> memref<4x2048xf32, #tpu.memory_space<hbm>>
      %dma_start3A_164 = arith.constant 0 : i32
      %dma_start3A_165 = tpu.memref_slice %arg5[%add3A_161, %dma_start3A_164] : memref<8192x2048xf32, #tpu.memory_space<hbm>> -> memref<4x2048xf32, #tpu.memory_space<hbm>>
      tpu.enqueue_dma source(%arg7 : memref<4x2048xf32, #tpu.memory_space<vmem>>) target(%dma_start3A_165 : memref<4x2048xf32, #tpu.memory_space<hbm>>) target_semaphore(%arg32 : memref<!tpu.dma_semaphore, #tpu.memory_space<semaphore_mem>>)
      %ge3A_166 = arith.constant 1 : i32
      %ge3A_167 = arith.cmpi sge, %scan3A_101, %ge3A_166 : i32
      %convert_element_type3A_168 = arith.extui %ge3A_167 : i1 to i32
      %cond3A_169 = arith.constant 0 : i32
      %cond3A_170 = arith.cmpi ne, %convert_element_type3A_168, %cond3A_169 : i32
      scf.if %cond3A_170 {
        %sub3A = arith.constant 4 : i32
        %sub3A_389 = arith.subi %add3A_144, %sub3A : i32
        %mul3A_390 = arith.constant 4 : i32
        %mul3A_391 = arith.muli %sub3A_389, %mul3A_390 : i32
        %add3A_392 = arith.addi %mul3A_2, %mul3A_391 : i32
        %dma_wait3A_393 = arith.constant 0 : i32
        %dma_wait3A_394 = tpu.memref_slice %arg5[%add3A_392, %dma_wait3A_393] : memref<8192x2048xf32, #tpu.memory_space<hbm>> -> memref<4x2048xf32, #tpu.memory_space<hbm>>
        %dma_wait3A_395 = arith.constant 0 : i32
        %dma_wait3A_396 = tpu.memref_slice %arg5[%add3A_392, %dma_wait3A_395] : memref<8192x2048xf32, #tpu.memory_space<hbm>> -> memref<4x2048xf32, #tpu.memory_space<hbm>>
        tpu.wait_dma2 semaphore(%arg36 : memref<!tpu.dma_semaphore, #tpu.memory_space<semaphore_mem>>) src(%arg11 : memref<4x2048xf32, #tpu.memory_space<vmem>>) dst(%dma_wait3A_396 : memref<4x2048xf32, #tpu.memory_space<hbm>>)
      } else {
      }
      %add3A_171 = arith.constant 4 : i32
      %add3A_172 = arith.addi %add3A_144, %add3A_171 : i32
      %mul3A_173 = arith.constant 4 : i32
      %mul3A_174 = arith.muli %add3A_172, %mul3A_173 : i32
      %add3A_175 = arith.addi %mul3A_2, %mul3A_174 : i32
      %dma_start3A_176 = arith.constant 0 : i32
      %dma_start3A_177 = tpu.memref_slice %arg2[%add3A_175, %dma_start3A_176] : memref<8192x2048xf32, #tpu.memory_space<hbm>> -> memref<4x2048xf32, #tpu.memory_space<hbm>>
      %dma_start3A_178 = arith.constant 0 : i32
      %dma_start3A_179 = tpu.memref_slice %arg2[%add3A_175, %dma_start3A_178] : memref<8192x2048xf32, #tpu.memory_space<hbm>> -> memref<4x2048xf32, #tpu.memory_space<hbm>>
      tpu.enqueue_dma source(%dma_start3A_179 : memref<4x2048xf32, #tpu.memory_space<hbm>>) target(%arg11 : memref<4x2048xf32, #tpu.memory_space<vmem>>) target_semaphore(%arg24 : memref<!tpu.dma_semaphore, #tpu.memory_space<semaphore_mem>>)
      %dma_start3A_180 = arith.constant 0 : i32
      %dma_start3A_181 = tpu.memref_slice %arg3[%add3A_175, %dma_start3A_180] : memref<8192x1536xf32, #tpu.memory_space<hbm>> -> memref<4x1536xf32, #tpu.memory_space<hbm>>
      %dma_start3A_182 = arith.constant 0 : i32
      %dma_start3A_183 = tpu.memref_slice %arg3[%add3A_175, %dma_start3A_182] : memref<8192x1536xf32, #tpu.memory_space<hbm>> -> memref<4x1536xf32, #tpu.memory_space<hbm>>
      tpu.enqueue_dma source(%dma_start3A_183 : memref<4x1536xf32, #tpu.memory_space<hbm>>) target(%arg15 : memref<4x1536xf32, #tpu.memory_space<vmem>>) target_semaphore(%arg28 : memref<!tpu.dma_semaphore, #tpu.memory_space<semaphore_mem>>)
      %mul3A_184 = arith.constant 8 : i32
      %mul3A_185 = arith.muli %mul3A_184, %scan3A_101 : i32
      %add3A_186 = arith.constant 2 : i32
      %add3A_187 = arith.addi %mul3A_185, %add3A_186 : i32
      %mul3A_188 = arith.constant 4 : i32
      %mul3A_189 = arith.muli %add3A_187, %mul3A_188 : i32
      %add3A_190 = arith.addi %mul3A_2, %mul3A_189 : i32
      %dma_wait3A_191 = arith.constant 0 : i32
      %dma_wait3A_192 = tpu.memref_slice %arg2[%add3A_190, %dma_wait3A_191] : memref<8192x2048xf32, #tpu.memory_space<hbm>> -> memref<4x2048xf32, #tpu.memory_space<hbm>>
      %dma_wait3A_193 = arith.constant 0 : i32
      %dma_wait3A_194 = tpu.memref_slice %arg2[%add3A_190, %dma_wait3A_193] : memref<8192x2048xf32, #tpu.memory_space<hbm>> -> memref<4x2048xf32, #tpu.memory_space<hbm>>
      tpu.wait_dma2 semaphore(%arg21 : memref<!tpu.dma_semaphore, #tpu.memory_space<semaphore_mem>>) src(%dma_wait3A_194 : memref<4x2048xf32, #tpu.memory_space<hbm>>) dst(%arg8 : memref<4x2048xf32, #tpu.memory_space<vmem>>)
      %dma_wait3A_195 = arith.constant 0 : i32
      %dma_wait3A_196 = tpu.memref_slice %arg3[%add3A_190, %dma_wait3A_195] : memref<8192x1536xf32, #tpu.memory_space<hbm>> -> memref<4x1536xf32, #tpu.memory_space<hbm>>
      %dma_wait3A_197 = arith.constant 0 : i32
      %dma_wait3A_198 = tpu.memref_slice %arg3[%add3A_190, %dma_wait3A_197] : memref<8192x1536xf32, #tpu.memory_space<hbm>> -> memref<4x1536xf32, #tpu.memory_space<hbm>>
      tpu.wait_dma2 semaphore(%arg29 : memref<!tpu.dma_semaphore, #tpu.memory_space<semaphore_mem>>) src(%dma_wait3A_198 : memref<4x1536xf32, #tpu.memory_space<hbm>>) dst(%arg16 : memref<4x1536xf32, #tpu.memory_space<vmem>>)
      %parallel_loop3A_199 = arith.constant 0 : i32
      %parallel_loop3A_200 = arith.constant 96 : i32
      %parallel_loop3A_201 = arith.constant 1 : i32
      scf.for %parallel_loop3A_389 = %parallel_loop3A_199 to %parallel_loop3A_200 step %parallel_loop3A_201  : i32 {
        %parallel_loop3A_390 = arith.constant 16 : i32
        %parallel_loop3A_391 = arith.muli %parallel_loop3A_389, %parallel_loop3A_390 : i32
        %parallel_loop3A_392 = arith.index_cast %parallel_loop3A_391 : i32 to index
        %parallel_loop3A_393 = tpu.vector_load %arg18[%parallel_loop3A_392] {strides = array<i32>} : memref<1536xi32, #tpu.memory_space<vmem>>, vector<16xi32>,
        %parallel_loop3A_394 = arith.constant 0 : i32
        %parallel_loop3A_395 = arith.index_cast %parallel_loop3A_394 : i32 to index
        %parallel_loop3A_396 = arith.index_cast %parallel_loop3A_391 : i32 to index
        %parallel_loop3A_397 = tpu.vector_load %arg16[%parallel_loop3A_395, %parallel_loop3A_396] {strides = array<i32>} : memref<4x1536xf32, #tpu.memory_space<vmem>>, vector<16xf32>,
        tpu.vector_store_idx %arg8[%broadcast_in_dim3A_42, %parallel_loop3A_393], %parallel_loop3A_397 {add = true} : memref<4x2048xf32, #tpu.memory_space<vmem>>[vector<16xi32>, vector<16xi32>], vector<16xf32>,
        %parallel_loop3A_398 = arith.constant 1 : i32
        %parallel_loop3A_399 = arith.index_cast %parallel_loop3A_398 : i32 to index
        %parallel_loop3A_400 = arith.index_cast %parallel_loop3A_391 : i32 to index
        %parallel_loop3A_401 = tpu.vector_load %arg16[%parallel_loop3A_399, %parallel_loop3A_400] {strides = array<i32>} : memref<4x1536xf32, #tpu.memory_space<vmem>>, vector<16xf32>,
        tpu.vector_store_idx %arg8[%broadcast_in_dim3A_44, %parallel_loop3A_393], %parallel_loop3A_401 {add = true} : memref<4x2048xf32, #tpu.memory_space<vmem>>[vector<16xi32>, vector<16xi32>], vector<16xf32>,
        %parallel_loop3A_402 = arith.constant 2 : i32
        %parallel_loop3A_403 = arith.index_cast %parallel_loop3A_402 : i32 to index
        %parallel_loop3A_404 = arith.index_cast %parallel_loop3A_391 : i32 to index
        %parallel_loop3A_405 = tpu.vector_load %arg16[%parallel_loop3A_403, %parallel_loop3A_404] {strides = array<i32>} : memref<4x1536xf32, #tpu.memory_space<vmem>>, vector<16xf32>,
        tpu.vector_store_idx %arg8[%broadcast_in_dim3A_46, %parallel_loop3A_393], %parallel_loop3A_405 {add = true} : memref<4x2048xf32, #tpu.memory_space<vmem>>[vector<16xi32>, vector<16xi32>], vector<16xf32>,
        %parallel_loop3A_406 = arith.constant 3 : i32
        %parallel_loop3A_407 = arith.index_cast %parallel_loop3A_406 : i32 to index
        %parallel_loop3A_408 = arith.index_cast %parallel_loop3A_391 : i32 to index
        %parallel_loop3A_409 = tpu.vector_load %arg16[%parallel_loop3A_407, %parallel_loop3A_408] {strides = array<i32>} : memref<4x1536xf32, #tpu.memory_space<vmem>>, vector<16xf32>,
        tpu.vector_store_idx %arg8[%broadcast_in_dim3A_48, %parallel_loop3A_393], %parallel_loop3A_409 {add = true} : memref<4x2048xf32, #tpu.memory_space<vmem>>[vector<16xi32>, vector<16xi32>], vector<16xf32>,
      } {sc.loop_unroll_factor = 1 : i64, sc.parallel_access}
      %mul3A_202 = arith.constant 4 : i32
      %mul3A_203 = arith.muli %add3A_187, %mul3A_202 : i32
      %add3A_204 = arith.addi %mul3A_2, %mul3A_203 : i32
      %dma_start3A_205 = arith.constant 0 : i32
      %dma_start3A_206 = tpu.memref_slice %arg5[%add3A_204, %dma_start3A_205] : memref<8192x2048xf32, #tpu.memory_space<hbm>> -> memref<4x2048xf32, #tpu.memory_space<hbm>>
      %dma_start3A_207 = arith.constant 0 : i32
      %dma_start3A_208 = tpu.memref_slice %arg5[%add3A_204, %dma_start3A_207] : memref<8192x2048xf32, #tpu.memory_space<hbm>> -> memref<4x2048xf32, #tpu.memory_space<hbm>>
      tpu.enqueue_dma source(%arg8 : memref<4x2048xf32, #tpu.memory_space<vmem>>) target(%dma_start3A_208 : memref<4x2048xf32, #tpu.memory_space<hbm>>) target_semaphore(%arg33 : memref<!tpu.dma_semaphore, #tpu.memory_space<semaphore_mem>>)
      %ge3A_209 = arith.constant 1 : i32
      %ge3A_210 = arith.cmpi sge, %scan3A_101, %ge3A_209 : i32
      %convert_element_type3A_211 = arith.extui %ge3A_210 : i1 to i32
      %cond3A_212 = arith.constant 0 : i32
      %cond3A_213 = arith.cmpi ne, %convert_element_type3A_211, %cond3A_212 : i32
      scf.if %cond3A_213 {
        %sub3A = arith.constant 4 : i32
        %sub3A_389 = arith.subi %add3A_187, %sub3A : i32
        %mul3A_390 = arith.constant 4 : i32
        %mul3A_391 = arith.muli %sub3A_389, %mul3A_390 : i32
        %add3A_392 = arith.addi %mul3A_2, %mul3A_391 : i32
        %dma_wait3A_393 = arith.constant 0 : i32
        %dma_wait3A_394 = tpu.memref_slice %arg5[%add3A_392, %dma_wait3A_393] : memref<8192x2048xf32, #tpu.memory_space<hbm>> -> memref<4x2048xf32, #tpu.memory_space<hbm>>
        %dma_wait3A_395 = arith.constant 0 : i32
        %dma_wait3A_396 = tpu.memref_slice %arg5[%add3A_392, %dma_wait3A_395] : memref<8192x2048xf32, #tpu.memory_space<hbm>> -> memref<4x2048xf32, #tpu.memory_space<hbm>>
        tpu.wait_dma2 semaphore(%arg37 : memref<!tpu.dma_semaphore, #tpu.memory_space<semaphore_mem>>) src(%arg12 : memref<4x2048xf32, #tpu.memory_space<vmem>>) dst(%dma_wait3A_396 : memref<4x2048xf32, #tpu.memory_space<hbm>>)
      } else {
      }
      %add3A_214 = arith.constant 4 : i32
      %add3A_215 = arith.addi %add3A_187, %add3A_214 : i32
      %mul3A_216 = arith.constant 4 : i32
      %mul3A_217 = arith.muli %add3A_215, %mul3A_216 : i32
      %add3A_218 = arith.addi %mul3A_2, %mul3A_217 : i32
      %dma_start3A_219 = arith.constant 0 : i32
      %dma_start3A_220 = tpu.memref_slice %arg2[%add3A_218, %dma_start3A_219] : memref<8192x2048xf32, #tpu.memory_space<hbm>> -> memref<4x2048xf32, #tpu.memory_space<hbm>>
      %dma_start3A_221 = arith.constant 0 : i32
      %dma_start3A_222 = tpu.memref_slice %arg2[%add3A_218, %dma_start3A_221] : memref<8192x2048xf32, #tpu.memory_space<hbm>> -> memref<4x2048xf32, #tpu.memory_space<hbm>>
      tpu.enqueue_dma source(%dma_start3A_222 : memref<4x2048xf32, #tpu.memory_space<hbm>>) target(%arg12 : memref<4x2048xf32, #tpu.memory_space<vmem>>) target_semaphore(%arg25 : memref<!tpu.dma_semaphore, #tpu.memory_space<semaphore_mem>>)
      %dma_start3A_223 = arith.constant 0 : i32
      %dma_start3A_224 = tpu.memref_slice %arg3[%add3A_218, %dma_start3A_223] : memref<8192x1536xf32, #tpu.memory_space<hbm>> -> memref<4x1536xf32, #tpu.memory_space<hbm>>
      %dma_start3A_225 = arith.constant 0 : i32
      %dma_start3A_226 = tpu.memref_slice %arg3[%add3A_218, %dma_start3A_225] : memref<8192x1536xf32, #tpu.memory_space<hbm>> -> memref<4x1536xf32, #tpu.memory_space<hbm>>
      tpu.enqueue_dma source(%dma_start3A_226 : memref<4x1536xf32, #tpu.memory_space<hbm>>) target(%arg16 : memref<4x1536xf32, #tpu.memory_space<vmem>>) target_semaphore(%arg29 : memref<!tpu.dma_semaphore, #tpu.memory_space<semaphore_mem>>)
      %mul3A_227 = arith.constant 8 : i32
      %mul3A_228 = arith.muli %mul3A_227, %scan3A_101 : i32
      %add3A_229 = arith.constant 3 : i32
      %add3A_230 = arith.addi %mul3A_228, %add3A_229 : i32
      %mul3A_231 = arith.constant 4 : i32
      %mul3A_232 = arith.muli %add3A_230, %mul3A_231 : i32
      %add3A_233 = arith.addi %mul3A_2, %mul3A_232 : i32
      %dma_wait3A_234 = arith.constant 0 : i32
      %dma_wait3A_235 = tpu.memref_slice %arg2[%add3A_233, %dma_wait3A_234] : memref<8192x2048xf32, #tpu.memory_space<hbm>> -> memref<4x2048xf32, #tpu.memory_space<hbm>>
      %dma_wait3A_236 = arith.constant 0 : i32
      %dma_wait3A_237 = tpu.memref_slice %arg2[%add3A_233, %dma_wait3A_236] : memref<8192x2048xf32, #tpu.memory_space<hbm>> -> memref<4x2048xf32, #tpu.memory_space<hbm>>
      tpu.wait_dma2 semaphore(%arg22 : memref<!tpu.dma_semaphore, #tpu.memory_space<semaphore_mem>>) src(%dma_wait3A_237 : memref<4x2048xf32, #tpu.memory_space<hbm>>) dst(%arg9 : memref<4x2048xf32, #tpu.memory_space<vmem>>)
      %dma_wait3A_238 = arith.constant 0 : i32
      %dma_wait3A_239 = tpu.memref_slice %arg3[%add3A_233, %dma_wait3A_238] : memref<8192x1536xf32, #tpu.memory_space<hbm>> -> memref<4x1536xf32, #tpu.memory_space<hbm>>
      %dma_wait3A_240 = arith.constant 0 : i32
      %dma_wait3A_241 = tpu.memref_slice %arg3[%add3A_233, %dma_wait3A_240] : memref<8192x1536xf32, #tpu.memory_space<hbm>> -> memref<4x1536xf32, #tpu.memory_space<hbm>>
      tpu.wait_dma2 semaphore(%arg30 : memref<!tpu.dma_semaphore, #tpu.memory_space<semaphore_mem>>) src(%dma_wait3A_241 : memref<4x1536xf32, #tpu.memory_space<hbm>>) dst(%arg17 : memref<4x1536xf32, #tpu.memory_space<vmem>>)
      %parallel_loop3A_242 = arith.constant 0 : i32
      %parallel_loop3A_243 = arith.constant 96 : i32
      %parallel_loop3A_244 = arith.constant 1 : i32
      scf.for %parallel_loop3A_389 = %parallel_loop3A_242 to %parallel_loop3A_243 step %parallel_loop3A_244  : i32 {
        %parallel_loop3A_390 = arith.constant 16 : i32
        %parallel_loop3A_391 = arith.muli %parallel_loop3A_389, %parallel_loop3A_390 : i32
        %parallel_loop3A_392 = arith.index_cast %parallel_loop3A_391 : i32 to index
        %parallel_loop3A_393 = tpu.vector_load %arg18[%parallel_loop3A_392] {strides = array<i32>} : memref<1536xi32, #tpu.memory_space<vmem>>, vector<16xi32>,
        %parallel_loop3A_394 = arith.constant 0 : i32
        %parallel_loop3A_395 = arith.index_cast %parallel_loop3A_394 : i32 to index
        %parallel_loop3A_396 = arith.index_cast %parallel_loop3A_391 : i32 to index
        %parallel_loop3A_397 = tpu.vector_load %arg17[%parallel_loop3A_395, %parallel_loop3A_396] {strides = array<i32>} : memref<4x1536xf32, #tpu.memory_space<vmem>>, vector<16xf32>,
        tpu.vector_store_idx %arg9[%broadcast_in_dim3A_42, %parallel_loop3A_393], %parallel_loop3A_397 {add = true} : memref<4x2048xf32, #tpu.memory_space<vmem>>[vector<16xi32>, vector<16xi32>], vector<16xf32>,
        %parallel_loop3A_398 = arith.constant 1 : i32
        %parallel_loop3A_399 = arith.index_cast %parallel_loop3A_398 : i32 to index
        %parallel_loop3A_400 = arith.index_cast %parallel_loop3A_391 : i32 to index
        %parallel_loop3A_401 = tpu.vector_load %arg17[%parallel_loop3A_399, %parallel_loop3A_400] {strides = array<i32>} : memref<4x1536xf32, #tpu.memory_space<vmem>>, vector<16xf32>,
        tpu.vector_store_idx %arg9[%broadcast_in_dim3A_44, %parallel_loop3A_393], %parallel_loop3A_401 {add = true} : memref<4x2048xf32, #tpu.memory_space<vmem>>[vector<16xi32>, vector<16xi32>], vector<16xf32>,
        %parallel_loop3A_402 = arith.constant 2 : i32
        %parallel_loop3A_403 = arith.index_cast %parallel_loop3A_402 : i32 to index
        %parallel_loop3A_404 = arith.index_cast %parallel_loop3A_391 : i32 to index
        %parallel_loop3A_405 = tpu.vector_load %arg17[%parallel_loop3A_403, %parallel_loop3A_404] {strides = array<i32>} : memref<4x1536xf32, #tpu.memory_space<vmem>>, vector<16xf32>,
        tpu.vector_store_idx %arg9[%broadcast_in_dim3A_46, %parallel_loop3A_393], %parallel_loop3A_405 {add = true} : memref<4x2048xf32, #tpu.memory_space<vmem>>[vector<16xi32>, vector<16xi32>], vector<16xf32>,
        %parallel_loop3A_406 = arith.constant 3 : i32
        %parallel_loop3A_407 = arith.index_cast %parallel_loop3A_406 : i32 to index
        %parallel_loop3A_408 = arith.index_cast %parallel_loop3A_391 : i32 to index
        %parallel_loop3A_409 = tpu.vector_load %arg17[%parallel_loop3A_407, %parallel_loop3A_408] {strides = array<i32>} : memref<4x1536xf32, #tpu.memory_space<vmem>>, vector<16xf32>,
        tpu.vector_store_idx %arg9[%broadcast_in_dim3A_48, %parallel_loop3A_393], %parallel_loop3A_409 {add = true} : memref<4x2048xf32, #tpu.memory_space<vmem>>[vector<16xi32>, vector<16xi32>], vector<16xf32>,
      } {sc.loop_unroll_factor = 1 : i64, sc.parallel_access}
      %mul3A_245 = arith.constant 4 : i32
      %mul3A_246 = arith.muli %add3A_230, %mul3A_245 : i32
      %add3A_247 = arith.addi %mul3A_2, %mul3A_246 : i32
      %dma_start3A_248 = arith.constant 0 : i32
      %dma_start3A_249 = tpu.memref_slice %arg5[%add3A_247, %dma_start3A_248] : memref<8192x2048xf32, #tpu.memory_space<hbm>> -> memref<4x2048xf32, #tpu.memory_space<hbm>>
      %dma_start3A_250 = arith.constant 0 : i32
      %dma_start3A_251 = tpu.memref_slice %arg5[%add3A_247, %dma_start3A_250] : memref<8192x2048xf32, #tpu.memory_space<hbm>> -> memref<4x2048xf32, #tpu.memory_space<hbm>>
      tpu.enqueue_dma source(%arg9 : memref<4x2048xf32, #tpu.memory_space<vmem>>) target(%dma_start3A_251 : memref<4x2048xf32, #tpu.memory_space<hbm>>) target_semaphore(%arg34 : memref<!tpu.dma_semaphore, #tpu.memory_space<semaphore_mem>>)
      %ge3A_252 = arith.constant 1 : i32
      %ge3A_253 = arith.cmpi sge, %scan3A_101, %ge3A_252 : i32
      %convert_element_type3A_254 = arith.extui %ge3A_253 : i1 to i32
      %cond3A_255 = arith.constant 0 : i32
      %cond3A_256 = arith.cmpi ne, %convert_element_type3A_254, %cond3A_255 : i32
      scf.if %cond3A_256 {
        %sub3A = arith.constant 4 : i32
        %sub3A_389 = arith.subi %add3A_230, %sub3A : i32
        %mul3A_390 = arith.constant 4 : i32
        %mul3A_391 = arith.muli %sub3A_389, %mul3A_390 : i32
        %add3A_392 = arith.addi %mul3A_2, %mul3A_391 : i32
        %dma_wait3A_393 = arith.constant 0 : i32
        %dma_wait3A_394 = tpu.memref_slice %arg5[%add3A_392, %dma_wait3A_393] : memref<8192x2048xf32, #tpu.memory_space<hbm>> -> memref<4x2048xf32, #tpu.memory_space<hbm>>
        %dma_wait3A_395 = arith.constant 0 : i32
        %dma_wait3A_396 = tpu.memref_slice %arg5[%add3A_392, %dma_wait3A_395] : memref<8192x2048xf32, #tpu.memory_space<hbm>> -> memref<4x2048xf32, #tpu.memory_space<hbm>>
        tpu.wait_dma2 semaphore(%arg38 : memref<!tpu.dma_semaphore, #tpu.memory_space<semaphore_mem>>) src(%arg13 : memref<4x2048xf32, #tpu.memory_space<vmem>>) dst(%dma_wait3A_396 : memref<4x2048xf32, #tpu.memory_space<hbm>>)
      } else {
      }
      %add3A_257 = arith.constant 4 : i32
      %add3A_258 = arith.addi %add3A_230, %add3A_257 : i32
      %mul3A_259 = arith.constant 4 : i32
      %mul3A_260 = arith.muli %add3A_258, %mul3A_259 : i32
      %add3A_261 = arith.addi %mul3A_2, %mul3A_260 : i32
      %dma_start3A_262 = arith.constant 0 : i32
      %dma_start3A_263 = tpu.memref_slice %arg2[%add3A_261, %dma_start3A_262] : memref<8192x2048xf32, #tpu.memory_space<hbm>> -> memref<4x2048xf32, #tpu.memory_space<hbm>>
      %dma_start3A_264 = arith.constant 0 : i32
      %dma_start3A_265 = tpu.memref_slice %arg2[%add3A_261, %dma_start3A_264] : memref<8192x2048xf32, #tpu.memory_space<hbm>> -> memref<4x2048xf32, #tpu.memory_space<hbm>>
      tpu.enqueue_dma source(%dma_start3A_265 : memref<4x2048xf32, #tpu.memory_space<hbm>>) target(%arg13 : memref<4x2048xf32, #tpu.memory_space<vmem>>) target_semaphore(%arg26 : memref<!tpu.dma_semaphore, #tpu.memory_space<semaphore_mem>>)
      %dma_start3A_266 = arith.constant 0 : i32
      %dma_start3A_267 = tpu.memref_slice %arg3[%add3A_261, %dma_start3A_266] : memref<8192x1536xf32, #tpu.memory_space<hbm>> -> memref<4x1536xf32, #tpu.memory_space<hbm>>
      %dma_start3A_268 = arith.constant 0 : i32
      %dma_start3A_269 = tpu.memref_slice %arg3[%add3A_261, %dma_start3A_268] : memref<8192x1536xf32, #tpu.memory_space<hbm>> -> memref<4x1536xf32, #tpu.memory_space<hbm>>
      tpu.enqueue_dma source(%dma_start3A_269 : memref<4x1536xf32, #tpu.memory_space<hbm>>) target(%arg17 : memref<4x1536xf32, #tpu.memory_space<vmem>>) target_semaphore(%arg30 : memref<!tpu.dma_semaphore, #tpu.memory_space<semaphore_mem>>)
      %mul3A_270 = arith.constant 8 : i32
      %mul3A_271 = arith.muli %mul3A_270, %scan3A_101 : i32
      %add3A_272 = arith.constant 4 : i32
      %add3A_273 = arith.addi %mul3A_271, %add3A_272 : i32
      %mul3A_274 = arith.constant 4 : i32
      %mul3A_275 = arith.muli %add3A_273, %mul3A_274 : i32
      %add3A_276 = arith.addi %mul3A_2, %mul3A_275 : i32
      %dma_wait3A_277 = arith.constant 0 : i32
      %dma_wait3A_278 = tpu.memref_slice %arg2[%add3A_276, %dma_wait3A_277] : memref<8192x2048xf32, #tpu.memory_space<hbm>> -> memref<4x2048xf32, #tpu.memory_space<hbm>>
      %dma_wait3A_279 = arith.constant 0 : i32
      %dma_wait3A_280 = tpu.memref_slice %arg2[%add3A_276, %dma_wait3A_279] : memref<8192x2048xf32, #tpu.memory_space<hbm>> -> memref<4x2048xf32, #tpu.memory_space<hbm>>
      tpu.wait_dma2 semaphore(%arg23 : memref<!tpu.dma_semaphore, #tpu.memory_space<semaphore_mem>>) src(%dma_wait3A_280 : memref<4x2048xf32, #tpu.memory_space<hbm>>) dst(%arg10 : memref<4x2048xf32, #tpu.memory_space<vmem>>)
      %dma_wait3A_281 = arith.constant 0 : i32
      %dma_wait3A_282 = tpu.memref_slice %arg3[%add3A_276, %dma_wait3A_281] : memref<8192x1536xf32, #tpu.memory_space<hbm>> -> memref<4x1536xf32, #tpu.memory_space<hbm>>
      %dma_wait3A_283 = arith.constant 0 : i32
      %dma_wait3A_284 = tpu.memref_slice %arg3[%add3A_276, %dma_wait3A_283] : memref<8192x1536xf32, #tpu.memory_space<hbm>> -> memref<4x1536xf32, #tpu.memory_space<hbm>>
      tpu.wait_dma2 semaphore(%arg27 : memref<!tpu.dma_semaphore, #tpu.memory_space<semaphore_mem>>) src(%dma_wait3A_284 : memref<4x1536xf32, #tpu.memory_space<hbm>>) dst(%arg14 : memref<4x1536xf32, #tpu.memory_space<vmem>>)
      %parallel_loop3A_285 = arith.constant 0 : i32
      %parallel_loop3A_286 = arith.constant 96 : i32
      %parallel_loop3A_287 = arith.constant 1 : i32
      scf.for %parallel_loop3A_389 = %parallel_loop3A_285 to %parallel_loop3A_286 step %parallel_loop3A_287  : i32 {
        %parallel_loop3A_390 = arith.constant 16 : i32
        %parallel_loop3A_391 = arith.muli %parallel_loop3A_389, %parallel_loop3A_390 : i32
        %parallel_loop3A_392 = arith.index_cast %parallel_loop3A_391 : i32 to index
        %parallel_loop3A_393 = tpu.vector_load %arg18[%parallel_loop3A_392] {strides = array<i32>} : memref<1536xi32, #tpu.memory_space<vmem>>, vector<16xi32>,
        %parallel_loop3A_394 = arith.constant 0 : i32
        %parallel_loop3A_395 = arith.index_cast %parallel_loop3A_394 : i32 to index
        %parallel_loop3A_396 = arith.index_cast %parallel_loop3A_391 : i32 to index
        %parallel_loop3A_397 = tpu.vector_load %arg14[%parallel_loop3A_395, %parallel_loop3A_396] {strides = array<i32>} : memref<4x1536xf32, #tpu.memory_space<vmem>>, vector<16xf32>,
        tpu.vector_store_idx %arg10[%broadcast_in_dim3A_42, %parallel_loop3A_393], %parallel_loop3A_397 {add = true} : memref<4x2048xf32, #tpu.memory_space<vmem>>[vector<16xi32>, vector<16xi32>], vector<16xf32>,
        %parallel_loop3A_398 = arith.constant 1 : i32
        %parallel_loop3A_399 = arith.index_cast %parallel_loop3A_398 : i32 to index
        %parallel_loop3A_400 = arith.index_cast %parallel_loop3A_391 : i32 to index
        %parallel_loop3A_401 = tpu.vector_load %arg14[%parallel_loop3A_399, %parallel_loop3A_400] {strides = array<i32>} : memref<4x1536xf32, #tpu.memory_space<vmem>>, vector<16xf32>,
        tpu.vector_store_idx %arg10[%broadcast_in_dim3A_44, %parallel_loop3A_393], %parallel_loop3A_401 {add = true} : memref<4x2048xf32, #tpu.memory_space<vmem>>[vector<16xi32>, vector<16xi32>], vector<16xf32>,
        %parallel_loop3A_402 = arith.constant 2 : i32
        %parallel_loop3A_403 = arith.index_cast %parallel_loop3A_402 : i32 to index
        %parallel_loop3A_404 = arith.index_cast %parallel_loop3A_391 : i32 to index
        %parallel_loop3A_405 = tpu.vector_load %arg14[%parallel_loop3A_403, %parallel_loop3A_404] {strides = array<i32>} : memref<4x1536xf32, #tpu.memory_space<vmem>>, vector<16xf32>,
        tpu.vector_store_idx %arg10[%broadcast_in_dim3A_46, %parallel_loop3A_393], %parallel_loop3A_405 {add = true} : memref<4x2048xf32, #tpu.memory_space<vmem>>[vector<16xi32>, vector<16xi32>], vector<16xf32>,
        %parallel_loop3A_406 = arith.constant 3 : i32
        %parallel_loop3A_407 = arith.index_cast %parallel_loop3A_406 : i32 to index
        %parallel_loop3A_408 = arith.index_cast %parallel_loop3A_391 : i32 to index
        %parallel_loop3A_409 = tpu.vector_load %arg14[%parallel_loop3A_407, %parallel_loop3A_408] {strides = array<i32>} : memref<4x1536xf32, #tpu.memory_space<vmem>>, vector<16xf32>,
        tpu.vector_store_idx %arg10[%broadcast_in_dim3A_48, %parallel_loop3A_393], %parallel_loop3A_409 {add = true} : memref<4x2048xf32, #tpu.memory_space<vmem>>[vector<16xi32>, vector<16xi32>], vector<16xf32>,
      } {sc.loop_unroll_factor = 1 : i64, sc.parallel_access}
      %mul3A_288 = arith.constant 4 : i32
      %mul3A_289 = arith.muli %add3A_273, %mul3A_288 : i32
      %add3A_290 = arith.addi %mul3A_2, %mul3A_289 : i32
      %dma_start3A_291 = arith.constant 0 : i32
      %dma_start3A_292 = tpu.memref_slice %arg5[%add3A_290, %dma_start3A_291] : memref<8192x2048xf32, #tpu.memory_space<hbm>> -> memref<4x2048xf32, #tpu.memory_space<hbm>>
      %dma_start3A_293 = arith.constant 0 : i32
      %dma_start3A_294 = tpu.memref_slice %arg5[%add3A_290, %dma_start3A_293] : memref<8192x2048xf32, #tpu.memory_space<hbm>> -> memref<4x2048xf32, #tpu.memory_space<hbm>>
      tpu.enqueue_dma source(%arg10 : memref<4x2048xf32, #tpu.memory_space<vmem>>) target(%dma_start3A_294 : memref<4x2048xf32, #tpu.memory_space<hbm>>) target_semaphore(%arg35 : memref<!tpu.dma_semaphore, #tpu.memory_space<semaphore_mem>>)
      %lt3A = arith.constant 7 : i32
      %lt3A_295 = arith.cmpi slt, %scan3A_101, %lt3A : i32
      %convert_element_type3A_296 = arith.extui %lt3A_295 : i1 to i32
      %cond3A_297 = arith.constant 0 : i32
      %cond3A_298 = arith.cmpi ne, %convert_element_type3A_296, %cond3A_297 : i32
      scf.if %cond3A_298 {
        %sub3A = arith.constant 4 : i32
        %sub3A_389 = arith.subi %add3A_273, %sub3A : i32
        %mul3A_390 = arith.constant 4 : i32
        %mul3A_391 = arith.muli %sub3A_389, %mul3A_390 : i32
        %add3A_392 = arith.addi %mul3A_2, %mul3A_391 : i32
        %dma_wait3A_393 = arith.constant 0 : i32
        %dma_wait3A_394 = tpu.memref_slice %arg5[%add3A_392, %dma_wait3A_393] : memref<8192x2048xf32, #tpu.memory_space<hbm>> -> memref<4x2048xf32, #tpu.memory_space<hbm>>
        %dma_wait3A_395 = arith.constant 0 : i32
        %dma_wait3A_396 = tpu.memref_slice %arg5[%add3A_392, %dma_wait3A_395] : memref<8192x2048xf32, #tpu.memory_space<hbm>> -> memref<4x2048xf32, #tpu.memory_space<hbm>>
        tpu.wait_dma2 semaphore(%arg31 : memref<!tpu.dma_semaphore, #tpu.memory_space<semaphore_mem>>) src(%arg6 : memref<4x2048xf32, #tpu.memory_space<vmem>>) dst(%dma_wait3A_396 : memref<4x2048xf32, #tpu.memory_space<hbm>>)
        %add3A_397 = arith.constant 4 : i32
        %add3A_398 = arith.addi %add3A_273, %add3A_397 : i32
        %mul3A_399 = arith.constant 4 : i32
        %mul3A_400 = arith.muli %add3A_398, %mul3A_399 : i32
        %add3A_401 = arith.addi %mul3A_2, %mul3A_400 : i32
        %dma_start3A_402 = arith.constant 0 : i32
        %dma_start3A_403 = tpu.memref_slice %arg2[%add3A_401, %dma_start3A_402] : memref<8192x2048xf32, #tpu.memory_space<hbm>> -> memref<4x2048xf32, #tpu.memory_space<hbm>>
        %dma_start3A_404 = arith.constant 0 : i32
        %dma_start3A_405 = tpu.memref_slice %arg2[%add3A_401, %dma_start3A_404] : memref<8192x2048xf32, #tpu.memory_space<hbm>> -> memref<4x2048xf32, #tpu.memory_space<hbm>>
        tpu.enqueue_dma source(%dma_start3A_405 : memref<4x2048xf32, #tpu.memory_space<hbm>>) target(%arg6 : memref<4x2048xf32, #tpu.memory_space<vmem>>) target_semaphore(%arg19 : memref<!tpu.dma_semaphore, #tpu.memory_space<semaphore_mem>>)
        %dma_start3A_406 = arith.constant 0 : i32
        %dma_start3A_407 = tpu.memref_slice %arg3[%add3A_401, %dma_start3A_406] : memref<8192x1536xf32, #tpu.memory_space<hbm>> -> memref<4x1536xf32, #tpu.memory_space<hbm>>
        %dma_start3A_408 = arith.constant 0 : i32
        %dma_start3A_409 = tpu.memref_slice %arg3[%add3A_401, %dma_start3A_408] : memref<8192x1536xf32, #tpu.memory_space<hbm>> -> memref<4x1536xf32, #tpu.memory_space<hbm>>
        tpu.enqueue_dma source(%dma_start3A_409 : memref<4x1536xf32, #tpu.memory_space<hbm>>) target(%arg14 : memref<4x1536xf32, #tpu.memory_space<vmem>>) target_semaphore(%arg27 : memref<!tpu.dma_semaphore, #tpu.memory_space<semaphore_mem>>)
      } else {
      }
      %mul3A_299 = arith.constant 8 : i32
      %mul3A_300 = arith.muli %mul3A_299, %scan3A_101 : i32
      %add3A_301 = arith.constant 5 : i32
      %add3A_302 = arith.addi %mul3A_300, %add3A_301 : i32
      %mul3A_303 = arith.constant 4 : i32
      %mul3A_304 = arith.muli %add3A_302, %mul3A_303 : i32
      %add3A_305 = arith.addi %mul3A_2, %mul3A_304 : i32
      %dma_wait3A_306 = arith.constant 0 : i32
      %dma_wait3A_307 = tpu.memref_slice %arg2[%add3A_305, %dma_wait3A_306] : memref<8192x2048xf32, #tpu.memory_space<hbm>> -> memref<4x2048xf32, #tpu.memory_space<hbm>>
      %dma_wait3A_308 = arith.constant 0 : i32
      %dma_wait3A_309 = tpu.memref_slice %arg2[%add3A_305, %dma_wait3A_308] : memref<8192x2048xf32, #tpu.memory_space<hbm>> -> memref<4x2048xf32, #tpu.memory_space<hbm>>
      tpu.wait_dma2 semaphore(%arg24 : memref<!tpu.dma_semaphore, #tpu.memory_space<semaphore_mem>>) src(%dma_wait3A_309 : memref<4x2048xf32, #tpu.memory_space<hbm>>) dst(%arg11 : memref<4x2048xf32, #tpu.memory_space<vmem>>)
      %dma_wait3A_310 = arith.constant 0 : i32
      %dma_wait3A_311 = tpu.memref_slice %arg3[%add3A_305, %dma_wait3A_310] : memref<8192x1536xf32, #tpu.memory_space<hbm>> -> memref<4x1536xf32, #tpu.memory_space<hbm>>
      %dma_wait3A_312 = arith.constant 0 : i32
      %dma_wait3A_313 = tpu.memref_slice %arg3[%add3A_305, %dma_wait3A_312] : memref<8192x1536xf32, #tpu.memory_space<hbm>> -> memref<4x1536xf32, #tpu.memory_space<hbm>>
      tpu.wait_dma2 semaphore(%arg28 : memref<!tpu.dma_semaphore, #tpu.memory_space<semaphore_mem>>) src(%dma_wait3A_313 : memref<4x1536xf32, #tpu.memory_space<hbm>>) dst(%arg15 : memref<4x1536xf32, #tpu.memory_space<vmem>>)
      %parallel_loop3A_314 = arith.constant 0 : i32
      %parallel_loop3A_315 = arith.constant 96 : i32
      %parallel_loop3A_316 = arith.constant 1 : i32
      scf.for %parallel_loop3A_389 = %parallel_loop3A_314 to %parallel_loop3A_315 step %parallel_loop3A_316  : i32 {
        %parallel_loop3A_390 = arith.constant 16 : i32
        %parallel_loop3A_391 = arith.muli %parallel_loop3A_389, %parallel_loop3A_390 : i32
        %parallel_loop3A_392 = arith.index_cast %parallel_loop3A_391 : i32 to index
        %parallel_loop3A_393 = tpu.vector_load %arg18[%parallel_loop3A_392] {strides = array<i32>} : memref<1536xi32, #tpu.memory_space<vmem>>, vector<16xi32>,
        %parallel_loop3A_394 = arith.constant 0 : i32
        %parallel_loop3A_395 = arith.index_cast %parallel_loop3A_394 : i32 to index
        %parallel_loop3A_396 = arith.index_cast %parallel_loop3A_391 : i32 to index
        %parallel_loop3A_397 = tpu.vector_load %arg15[%parallel_loop3A_395, %parallel_loop3A_396] {strides = array<i32>} : memref<4x1536xf32, #tpu.memory_space<vmem>>, vector<16xf32>,
        tpu.vector_store_idx %arg11[%broadcast_in_dim3A_42, %parallel_loop3A_393], %parallel_loop3A_397 {add = true} : memref<4x2048xf32, #tpu.memory_space<vmem>>[vector<16xi32>, vector<16xi32>], vector<16xf32>,
        %parallel_loop3A_398 = arith.constant 1 : i32
        %parallel_loop3A_399 = arith.index_cast %parallel_loop3A_398 : i32 to index
        %parallel_loop3A_400 = arith.index_cast %parallel_loop3A_391 : i32 to index
        %parallel_loop3A_401 = tpu.vector_load %arg15[%parallel_loop3A_399, %parallel_loop3A_400] {strides = array<i32>} : memref<4x1536xf32, #tpu.memory_space<vmem>>, vector<16xf32>,
        tpu.vector_store_idx %arg11[%broadcast_in_dim3A_44, %parallel_loop3A_393], %parallel_loop3A_401 {add = true} : memref<4x2048xf32, #tpu.memory_space<vmem>>[vector<16xi32>, vector<16xi32>], vector<16xf32>,
        %parallel_loop3A_402 = arith.constant 2 : i32
        %parallel_loop3A_403 = arith.index_cast %parallel_loop3A_402 : i32 to index
        %parallel_loop3A_404 = arith.index_cast %parallel_loop3A_391 : i32 to index
        %parallel_loop3A_405 = tpu.vector_load %arg15[%parallel_loop3A_403, %parallel_loop3A_404] {strides = array<i32>} : memref<4x1536xf32, #tpu.memory_space<vmem>>, vector<16xf32>,
        tpu.vector_store_idx %arg11[%broadcast_in_dim3A_46, %parallel_loop3A_393], %parallel_loop3A_405 {add = true} : memref<4x2048xf32, #tpu.memory_space<vmem>>[vector<16xi32>, vector<16xi32>], vector<16xf32>,
        %parallel_loop3A_406 = arith.constant 3 : i32
        %parallel_loop3A_407 = arith.index_cast %parallel_loop3A_406 : i32 to index
        %parallel_loop3A_408 = arith.index_cast %parallel_loop3A_391 : i32 to index
        %parallel_loop3A_409 = tpu.vector_load %arg15[%parallel_loop3A_407, %parallel_loop3A_408] {strides = array<i32>} : memref<4x1536xf32, #tpu.memory_space<vmem>>, vector<16xf32>,
        tpu.vector_store_idx %arg11[%broadcast_in_dim3A_48, %parallel_loop3A_393], %parallel_loop3A_409 {add = true} : memref<4x2048xf32, #tpu.memory_space<vmem>>[vector<16xi32>, vector<16xi32>], vector<16xf32>,
      } {sc.loop_unroll_factor = 1 : i64, sc.parallel_access}
      %mul3A_317 = arith.constant 4 : i32
      %mul3A_318 = arith.muli %add3A_302, %mul3A_317 : i32
      %add3A_319 = arith.addi %mul3A_2, %mul3A_318 : i32
      %dma_start3A_320 = arith.constant 0 : i32
      %dma_start3A_321 = tpu.memref_slice %arg5[%add3A_319, %dma_start3A_320] : memref<8192x2048xf32, #tpu.memory_space<hbm>> -> memref<4x2048xf32, #tpu.memory_space<hbm>>
      %dma_start3A_322 = arith.constant 0 : i32
      %dma_start3A_323 = tpu.memref_slice %arg5[%add3A_319, %dma_start3A_322] : memref<8192x2048xf32, #tpu.memory_space<hbm>> -> memref<4x2048xf32, #tpu.memory_space<hbm>>
      tpu.enqueue_dma source(%arg11 : memref<4x2048xf32, #tpu.memory_space<vmem>>) target(%dma_start3A_323 : memref<4x2048xf32, #tpu.memory_space<hbm>>) target_semaphore(%arg36 : memref<!tpu.dma_semaphore, #tpu.memory_space<semaphore_mem>>)
      %lt3A_324 = arith.constant 7 : i32
      %lt3A_325 = arith.cmpi slt, %scan3A_101, %lt3A_324 : i32
      %convert_element_type3A_326 = arith.extui %lt3A_325 : i1 to i32
      %cond3A_327 = arith.constant 0 : i32
      %cond3A_328 = arith.cmpi ne, %convert_element_type3A_326, %cond3A_327 : i32
      scf.if %cond3A_328 {
        %sub3A = arith.constant 4 : i32
        %sub3A_389 = arith.subi %add3A_302, %sub3A : i32
        %mul3A_390 = arith.constant 4 : i32
        %mul3A_391 = arith.muli %sub3A_389, %mul3A_390 : i32
        %add3A_392 = arith.addi %mul3A_2, %mul3A_391 : i32
        %dma_wait3A_393 = arith.constant 0 : i32
        %dma_wait3A_394 = tpu.memref_slice %arg5[%add3A_392, %dma_wait3A_393] : memref<8192x2048xf32, #tpu.memory_space<hbm>> -> memref<4x2048xf32, #tpu.memory_space<hbm>>
        %dma_wait3A_395 = arith.constant 0 : i32
        %dma_wait3A_396 = tpu.memref_slice %arg5[%add3A_392, %dma_wait3A_395] : memref<8192x2048xf32, #tpu.memory_space<hbm>> -> memref<4x2048xf32, #tpu.memory_space<hbm>>
        tpu.wait_dma2 semaphore(%arg32 : memref<!tpu.dma_semaphore, #tpu.memory_space<semaphore_mem>>) src(%arg7 : memref<4x2048xf32, #tpu.memory_space<vmem>>) dst(%dma_wait3A_396 : memref<4x2048xf32, #tpu.memory_space<hbm>>)
        %add3A_397 = arith.constant 4 : i32
        %add3A_398 = arith.addi %add3A_302, %add3A_397 : i32
        %mul3A_399 = arith.constant 4 : i32
        %mul3A_400 = arith.muli %add3A_398, %mul3A_399 : i32
        %add3A_401 = arith.addi %mul3A_2, %mul3A_400 : i32
        %dma_start3A_402 = arith.constant 0 : i32
        %dma_start3A_403 = tpu.memref_slice %arg2[%add3A_401, %dma_start3A_402] : memref<8192x2048xf32, #tpu.memory_space<hbm>> -> memref<4x2048xf32, #tpu.memory_space<hbm>>
        %dma_start3A_404 = arith.constant 0 : i32
        %dma_start3A_405 = tpu.memref_slice %arg2[%add3A_401, %dma_start3A_404] : memref<8192x2048xf32, #tpu.memory_space<hbm>> -> memref<4x2048xf32, #tpu.memory_space<hbm>>
        tpu.enqueue_dma source(%dma_start3A_405 : memref<4x2048xf32, #tpu.memory_space<hbm>>) target(%arg7 : memref<4x2048xf32, #tpu.memory_space<vmem>>) target_semaphore(%arg20 : memref<!tpu.dma_semaphore, #tpu.memory_space<semaphore_mem>>)
        %dma_start3A_406 = arith.constant 0 : i32
        %dma_start3A_407 = tpu.memref_slice %arg3[%add3A_401, %dma_start3A_406] : memref<8192x1536xf32, #tpu.memory_space<hbm>> -> memref<4x1536xf32, #tpu.memory_space<hbm>>
        %dma_start3A_408 = arith.constant 0 : i32
        %dma_start3A_409 = tpu.memref_slice %arg3[%add3A_401, %dma_start3A_408] : memref<8192x1536xf32, #tpu.memory_space<hbm>> -> memref<4x1536xf32, #tpu.memory_space<hbm>>
        tpu.enqueue_dma source(%dma_start3A_409 : memref<4x1536xf32, #tpu.memory_space<hbm>>) target(%arg15 : memref<4x1536xf32, #tpu.memory_space<vmem>>) target_semaphore(%arg28 : memref<!tpu.dma_semaphore, #tpu.memory_space<semaphore_mem>>)
      } else {
      }
      %mul3A_329 = arith.constant 8 : i32
      %mul3A_330 = arith.muli %mul3A_329, %scan3A_101 : i32
      %add3A_331 = arith.constant 6 : i32
      %add3A_332 = arith.addi %mul3A_330, %add3A_331 : i32
      %mul3A_333 = arith.constant 4 : i32
      %mul3A_334 = arith.muli %add3A_332, %mul3A_333 : i32
      %add3A_335 = arith.addi %mul3A_2, %mul3A_334 : i32
      %dma_wait3A_336 = arith.constant 0 : i32
      %dma_wait3A_337 = tpu.memref_slice %arg2[%add3A_335, %dma_wait3A_336] : memref<8192x2048xf32, #tpu.memory_space<hbm>> -> memref<4x2048xf32, #tpu.memory_space<hbm>>
      %dma_wait3A_338 = arith.constant 0 : i32
      %dma_wait3A_339 = tpu.memref_slice %arg2[%add3A_335, %dma_wait3A_338] : memref<8192x2048xf32, #tpu.memory_space<hbm>> -> memref<4x2048xf32, #tpu.memory_space<hbm>>
      tpu.wait_dma2 semaphore(%arg25 : memref<!tpu.dma_semaphore, #tpu.memory_space<semaphore_mem>>) src(%dma_wait3A_339 : memref<4x2048xf32, #tpu.memory_space<hbm>>) dst(%arg12 : memref<4x2048xf32, #tpu.memory_space<vmem>>)
      %dma_wait3A_340 = arith.constant 0 : i32
      %dma_wait3A_341 = tpu.memref_slice %arg3[%add3A_335, %dma_wait3A_340] : memref<8192x1536xf32, #tpu.memory_space<hbm>> -> memref<4x1536xf32, #tpu.memory_space<hbm>>
      %dma_wait3A_342 = arith.constant 0 : i32
      %dma_wait3A_343 = tpu.memref_slice %arg3[%add3A_335, %dma_wait3A_342] : memref<8192x1536xf32, #tpu.memory_space<hbm>> -> memref<4x1536xf32, #tpu.memory_space<hbm>>
      tpu.wait_dma2 semaphore(%arg29 : memref<!tpu.dma_semaphore, #tpu.memory_space<semaphore_mem>>) src(%dma_wait3A_343 : memref<4x1536xf32, #tpu.memory_space<hbm>>) dst(%arg16 : memref<4x1536xf32, #tpu.memory_space<vmem>>)
      %parallel_loop3A_344 = arith.constant 0 : i32
      %parallel_loop3A_345 = arith.constant 96 : i32
      %parallel_loop3A_346 = arith.constant 1 : i32
      scf.for %parallel_loop3A_389 = %parallel_loop3A_344 to %parallel_loop3A_345 step %parallel_loop3A_346  : i32 {
        %parallel_loop3A_390 = arith.constant 16 : i32
        %parallel_loop3A_391 = arith.muli %parallel_loop3A_389, %parallel_loop3A_390 : i32
        %parallel_loop3A_392 = arith.index_cast %parallel_loop3A_391 : i32 to index
        %parallel_loop3A_393 = tpu.vector_load %arg18[%parallel_loop3A_392] {strides = array<i32>} : memref<1536xi32, #tpu.memory_space<vmem>>, vector<16xi32>,
        %parallel_loop3A_394 = arith.constant 0 : i32
        %parallel_loop3A_395 = arith.index_cast %parallel_loop3A_394 : i32 to index
        %parallel_loop3A_396 = arith.index_cast %parallel_loop3A_391 : i32 to index
        %parallel_loop3A_397 = tpu.vector_load %arg16[%parallel_loop3A_395, %parallel_loop3A_396] {strides = array<i32>} : memref<4x1536xf32, #tpu.memory_space<vmem>>, vector<16xf32>,
        tpu.vector_store_idx %arg12[%broadcast_in_dim3A_42, %parallel_loop3A_393], %parallel_loop3A_397 {add = true} : memref<4x2048xf32, #tpu.memory_space<vmem>>[vector<16xi32>, vector<16xi32>], vector<16xf32>,
        %parallel_loop3A_398 = arith.constant 1 : i32
        %parallel_loop3A_399 = arith.index_cast %parallel_loop3A_398 : i32 to index
        %parallel_loop3A_400 = arith.index_cast %parallel_loop3A_391 : i32 to index
        %parallel_loop3A_401 = tpu.vector_load %arg16[%parallel_loop3A_399, %parallel_loop3A_400] {strides = array<i32>} : memref<4x1536xf32, #tpu.memory_space<vmem>>, vector<16xf32>,
        tpu.vector_store_idx %arg12[%broadcast_in_dim3A_44, %parallel_loop3A_393], %parallel_loop3A_401 {add = true} : memref<4x2048xf32, #tpu.memory_space<vmem>>[vector<16xi32>, vector<16xi32>], vector<16xf32>,
        %parallel_loop3A_402 = arith.constant 2 : i32
        %parallel_loop3A_403 = arith.index_cast %parallel_loop3A_402 : i32 to index
        %parallel_loop3A_404 = arith.index_cast %parallel_loop3A_391 : i32 to index
        %parallel_loop3A_405 = tpu.vector_load %arg16[%parallel_loop3A_403, %parallel_loop3A_404] {strides = array<i32>} : memref<4x1536xf32, #tpu.memory_space<vmem>>, vector<16xf32>,
        tpu.vector_store_idx %arg12[%broadcast_in_dim3A_46, %parallel_loop3A_393], %parallel_loop3A_405 {add = true} : memref<4x2048xf32, #tpu.memory_space<vmem>>[vector<16xi32>, vector<16xi32>], vector<16xf32>,
        %parallel_loop3A_406 = arith.constant 3 : i32
        %parallel_loop3A_407 = arith.index_cast %parallel_loop3A_406 : i32 to index
        %parallel_loop3A_408 = arith.index_cast %parallel_loop3A_391 : i32 to index
        %parallel_loop3A_409 = tpu.vector_load %arg16[%parallel_loop3A_407, %parallel_loop3A_408] {strides = array<i32>} : memref<4x1536xf32, #tpu.memory_space<vmem>>, vector<16xf32>,
        tpu.vector_store_idx %arg12[%broadcast_in_dim3A_48, %parallel_loop3A_393], %parallel_loop3A_409 {add = true} : memref<4x2048xf32, #tpu.memory_space<vmem>>[vector<16xi32>, vector<16xi32>], vector<16xf32>,
      } {sc.loop_unroll_factor = 1 : i64, sc.parallel_access}
      %mul3A_347 = arith.constant 4 : i32
      %mul3A_348 = arith.muli %add3A_332, %mul3A_347 : i32
      %add3A_349 = arith.addi %mul3A_2, %mul3A_348 : i32
      %dma_start3A_350 = arith.constant 0 : i32
      %dma_start3A_351 = tpu.memref_slice %arg5[%add3A_349, %dma_start3A_350] : memref<8192x2048xf32, #tpu.memory_space<hbm>> -> memref<4x2048xf32, #tpu.memory_space<hbm>>
      %dma_start3A_352 = arith.constant 0 : i32
      %dma_start3A_353 = tpu.memref_slice %arg5[%add3A_349, %dma_start3A_352] : memref<8192x2048xf32, #tpu.memory_space<hbm>> -> memref<4x2048xf32, #tpu.memory_space<hbm>>
      tpu.enqueue_dma source(%arg12 : memref<4x2048xf32, #tpu.memory_space<vmem>>) target(%dma_start3A_353 : memref<4x2048xf32, #tpu.memory_space<hbm>>) target_semaphore(%arg37 : memref<!tpu.dma_semaphore, #tpu.memory_space<semaphore_mem>>)
      %lt3A_354 = arith.constant 7 : i32
      %lt3A_355 = arith.cmpi slt, %scan3A_101, %lt3A_354 : i32
      %convert_element_type3A_356 = arith.extui %lt3A_355 : i1 to i32
      %cond3A_357 = arith.constant 0 : i32
      %cond3A_358 = arith.cmpi ne, %convert_element_type3A_356, %cond3A_357 : i32
      scf.if %cond3A_358 {
        %sub3A = arith.constant 4 : i32
        %sub3A_389 = arith.subi %add3A_332, %sub3A : i32
        %mul3A_390 = arith.constant 4 : i32
        %mul3A_391 = arith.muli %sub3A_389, %mul3A_390 : i32
        %add3A_392 = arith.addi %mul3A_2, %mul3A_391 : i32
        %dma_wait3A_393 = arith.constant 0 : i32
        %dma_wait3A_394 = tpu.memref_slice %arg5[%add3A_392, %dma_wait3A_393] : memref<8192x2048xf32, #tpu.memory_space<hbm>> -> memref<4x2048xf32, #tpu.memory_space<hbm>>
        %dma_wait3A_395 = arith.constant 0 : i32
        %dma_wait3A_396 = tpu.memref_slice %arg5[%add3A_392, %dma_wait3A_395] : memref<8192x2048xf32, #tpu.memory_space<hbm>> -> memref<4x2048xf32, #tpu.memory_space<hbm>>
        tpu.wait_dma2 semaphore(%arg33 : memref<!tpu.dma_semaphore, #tpu.memory_space<semaphore_mem>>) src(%arg8 : memref<4x2048xf32, #tpu.memory_space<vmem>>) dst(%dma_wait3A_396 : memref<4x2048xf32, #tpu.memory_space<hbm>>)
        %add3A_397 = arith.constant 4 : i32
        %add3A_398 = arith.addi %add3A_332, %add3A_397 : i32
        %mul3A_399 = arith.constant 4 : i32
        %mul3A_400 = arith.muli %add3A_398, %mul3A_399 : i32
        %add3A_401 = arith.addi %mul3A_2, %mul3A_400 : i32
        %dma_start3A_402 = arith.constant 0 : i32
        %dma_start3A_403 = tpu.memref_slice %arg2[%add3A_401, %dma_start3A_402] : memref<8192x2048xf32, #tpu.memory_space<hbm>> -> memref<4x2048xf32, #tpu.memory_space<hbm>>
        %dma_start3A_404 = arith.constant 0 : i32
        %dma_start3A_405 = tpu.memref_slice %arg2[%add3A_401, %dma_start3A_404] : memref<8192x2048xf32, #tpu.memory_space<hbm>> -> memref<4x2048xf32, #tpu.memory_space<hbm>>
        tpu.enqueue_dma source(%dma_start3A_405 : memref<4x2048xf32, #tpu.memory_space<hbm>>) target(%arg8 : memref<4x2048xf32, #tpu.memory_space<vmem>>) target_semaphore(%arg21 : memref<!tpu.dma_semaphore, #tpu.memory_space<semaphore_mem>>)
        %dma_start3A_406 = arith.constant 0 : i32
        %dma_start3A_407 = tpu.memref_slice %arg3[%add3A_401, %dma_start3A_406] : memref<8192x1536xf32, #tpu.memory_space<hbm>> -> memref<4x1536xf32, #tpu.memory_space<hbm>>
        %dma_start3A_408 = arith.constant 0 : i32
        %dma_start3A_409 = tpu.memref_slice %arg3[%add3A_401, %dma_start3A_408] : memref<8192x1536xf32, #tpu.memory_space<hbm>> -> memref<4x1536xf32, #tpu.memory_space<hbm>>
        tpu.enqueue_dma source(%dma_start3A_409 : memref<4x1536xf32, #tpu.memory_space<hbm>>) target(%arg16 : memref<4x1536xf32, #tpu.memory_space<vmem>>) target_semaphore(%arg29 : memref<!tpu.dma_semaphore, #tpu.memory_space<semaphore_mem>>)
      } else {
      }
      %mul3A_359 = arith.constant 8 : i32
      %mul3A_360 = arith.muli %mul3A_359, %scan3A_101 : i32
      %add3A_361 = arith.constant 7 : i32
      %add3A_362 = arith.addi %mul3A_360, %add3A_361 : i32
      %mul3A_363 = arith.constant 4 : i32
      %mul3A_364 = arith.muli %add3A_362, %mul3A_363 : i32
      %add3A_365 = arith.addi %mul3A_2, %mul3A_364 : i32
      %dma_wait3A_366 = arith.constant 0 : i32
      %dma_wait3A_367 = tpu.memref_slice %arg2[%add3A_365, %dma_wait3A_366] : memref<8192x2048xf32, #tpu.memory_space<hbm>> -> memref<4x2048xf32, #tpu.memory_space<hbm>>
      %dma_wait3A_368 = arith.constant 0 : i32
      %dma_wait3A_369 = tpu.memref_slice %arg2[%add3A_365, %dma_wait3A_368] : memref<8192x2048xf32, #tpu.memory_space<hbm>> -> memref<4x2048xf32, #tpu.memory_space<hbm>>
      tpu.wait_dma2 semaphore(%arg26 : memref<!tpu.dma_semaphore, #tpu.memory_space<semaphore_mem>>) src(%dma_wait3A_369 : memref<4x2048xf32, #tpu.memory_space<hbm>>) dst(%arg13 : memref<4x2048xf32, #tpu.memory_space<vmem>>)
      %dma_wait3A_370 = arith.constant 0 : i32
      %dma_wait3A_371 = tpu.memref_slice %arg3[%add3A_365, %dma_wait3A_370] : memref<8192x1536xf32, #tpu.memory_space<hbm>> -> memref<4x1536xf32, #tpu.memory_space<hbm>>
      %dma_wait3A_372 = arith.constant 0 : i32
      %dma_wait3A_373 = tpu.memref_slice %arg3[%add3A_365, %dma_wait3A_372] : memref<8192x1536xf32, #tpu.memory_space<hbm>> -> memref<4x1536xf32, #tpu.memory_space<hbm>>
      tpu.wait_dma2 semaphore(%arg30 : memref<!tpu.dma_semaphore, #tpu.memory_space<semaphore_mem>>) src(%dma_wait3A_373 : memref<4x1536xf32, #tpu.memory_space<hbm>>) dst(%arg17 : memref<4x1536xf32, #tpu.memory_space<vmem>>)
      %parallel_loop3A_374 = arith.constant 0 : i32
      %parallel_loop3A_375 = arith.constant 96 : i32
      %parallel_loop3A_376 = arith.constant 1 : i32
      scf.for %parallel_loop3A_389 = %parallel_loop3A_374 to %parallel_loop3A_375 step %parallel_loop3A_376  : i32 {
        %parallel_loop3A_390 = arith.constant 16 : i32
        %parallel_loop3A_391 = arith.muli %parallel_loop3A_389, %parallel_loop3A_390 : i32
        %parallel_loop3A_392 = arith.index_cast %parallel_loop3A_391 : i32 to index
        %parallel_loop3A_393 = tpu.vector_load %arg18[%parallel_loop3A_392] {strides = array<i32>} : memref<1536xi32, #tpu.memory_space<vmem>>, vector<16xi32>,
        %parallel_loop3A_394 = arith.constant 0 : i32
        %parallel_loop3A_395 = arith.index_cast %parallel_loop3A_394 : i32 to index
        %parallel_loop3A_396 = arith.index_cast %parallel_loop3A_391 : i32 to index
        %parallel_loop3A_397 = tpu.vector_load %arg17[%parallel_loop3A_395, %parallel_loop3A_396] {strides = array<i32>} : memref<4x1536xf32, #tpu.memory_space<vmem>>, vector<16xf32>,
        tpu.vector_store_idx %arg13[%broadcast_in_dim3A_42, %parallel_loop3A_393], %parallel_loop3A_397 {add = true} : memref<4x2048xf32, #tpu.memory_space<vmem>>[vector<16xi32>, vector<16xi32>], vector<16xf32>,
        %parallel_loop3A_398 = arith.constant 1 : i32
        %parallel_loop3A_399 = arith.index_cast %parallel_loop3A_398 : i32 to index
        %parallel_loop3A_400 = arith.index_cast %parallel_loop3A_391 : i32 to index
        %parallel_loop3A_401 = tpu.vector_load %arg17[%parallel_loop3A_399, %parallel_loop3A_400] {strides = array<i32>} : memref<4x1536xf32, #tpu.memory_space<vmem>>, vector<16xf32>,
        tpu.vector_store_idx %arg13[%broadcast_in_dim3A_44, %parallel_loop3A_393], %parallel_loop3A_401 {add = true} : memref<4x2048xf32, #tpu.memory_space<vmem>>[vector<16xi32>, vector<16xi32>], vector<16xf32>,
        %parallel_loop3A_402 = arith.constant 2 : i32
        %parallel_loop3A_403 = arith.index_cast %parallel_loop3A_402 : i32 to index
        %parallel_loop3A_404 = arith.index_cast %parallel_loop3A_391 : i32 to index
        %parallel_loop3A_405 = tpu.vector_load %arg17[%parallel_loop3A_403, %parallel_loop3A_404] {strides = array<i32>} : memref<4x1536xf32, #tpu.memory_space<vmem>>, vector<16xf32>,
        tpu.vector_store_idx %arg13[%broadcast_in_dim3A_46, %parallel_loop3A_393], %parallel_loop3A_405 {add = true} : memref<4x2048xf32, #tpu.memory_space<vmem>>[vector<16xi32>, vector<16xi32>], vector<16xf32>,
        %parallel_loop3A_406 = arith.constant 3 : i32
        %parallel_loop3A_407 = arith.index_cast %parallel_loop3A_406 : i32 to index
        %parallel_loop3A_408 = arith.index_cast %parallel_loop3A_391 : i32 to index
        %parallel_loop3A_409 = tpu.vector_load %arg17[%parallel_loop3A_407, %parallel_loop3A_408] {strides = array<i32>} : memref<4x1536xf32, #tpu.memory_space<vmem>>, vector<16xf32>,
        tpu.vector_store_idx %arg13[%broadcast_in_dim3A_48, %parallel_loop3A_393], %parallel_loop3A_409 {add = true} : memref<4x2048xf32, #tpu.memory_space<vmem>>[vector<16xi32>, vector<16xi32>], vector<16xf32>,
      } {sc.loop_unroll_factor = 1 : i64, sc.parallel_access}
      %mul3A_377 = arith.constant 4 : i32
      %mul3A_378 = arith.muli %add3A_362, %mul3A_377 : i32
      %add3A_379 = arith.addi %mul3A_2, %mul3A_378 : i32
      %dma_start3A_380 = arith.constant 0 : i32
      %dma_start3A_381 = tpu.memref_slice %arg5[%add3A_379, %dma_start3A_380] : memref<8192x2048xf32, #tpu.memory_space<hbm>> -> memref<4x2048xf32, #tpu.memory_space<hbm>>
      %dma_start3A_382 = arith.constant 0 : i32
      %dma_start3A_383 = tpu.memref_slice %arg5[%add3A_379, %dma_start3A_382] : memref<8192x2048xf32, #tpu.memory_space<hbm>> -> memref<4x2048xf32, #tpu.memory_space<hbm>>
      tpu.enqueue_dma source(%arg13 : memref<4x2048xf32, #tpu.memory_space<vmem>>) target(%dma_start3A_383 : memref<4x2048xf32, #tpu.memory_space<hbm>>) target_semaphore(%arg38 : memref<!tpu.dma_semaphore, #tpu.memory_space<semaphore_mem>>)
      %lt3A_384 = arith.constant 7 : i32
      %lt3A_385 = arith.cmpi slt, %scan3A_101, %lt3A_384 : i32
      %convert_element_type3A_386 = arith.extui %lt3A_385 : i1 to i32
      %cond3A_387 = arith.constant 0 : i32
      %cond3A_388 = arith.cmpi ne, %convert_element_type3A_386, %cond3A_387 : i32
      scf.if %cond3A_388 {
        %sub3A = arith.constant 4 : i32
        %sub3A_389 = arith.subi %add3A_362, %sub3A : i32
        %mul3A_390 = arith.constant 4 : i32
        %mul3A_391 = arith.muli %sub3A_389, %mul3A_390 : i32
        %add3A_392 = arith.addi %mul3A_2, %mul3A_391 : i32
        %dma_wait3A_393 = arith.constant 0 : i32
        %dma_wait3A_394 = tpu.memref_slice %arg5[%add3A_392, %dma_wait3A_393] : memref<8192x2048xf32, #tpu.memory_space<hbm>> -> memref<4x2048xf32, #tpu.memory_space<hbm>>
        %dma_wait3A_395 = arith.constant 0 : i32
        %dma_wait3A_396 = tpu.memref_slice %arg5[%add3A_392, %dma_wait3A_395] : memref<8192x2048xf32, #tpu.memory_space<hbm>> -> memref<4x2048xf32, #tpu.memory_space<hbm>>
        tpu.wait_dma2 semaphore(%arg34 : memref<!tpu.dma_semaphore, #tpu.memory_space<semaphore_mem>>) src(%arg9 : memref<4x2048xf32, #tpu.memory_space<vmem>>) dst(%dma_wait3A_396 : memref<4x2048xf32, #tpu.memory_space<hbm>>)
        %add3A_397 = arith.constant 4 : i32
        %add3A_398 = arith.addi %add3A_362, %add3A_397 : i32
        %mul3A_399 = arith.constant 4 : i32
        %mul3A_400 = arith.muli %add3A_398, %mul3A_399 : i32
        %add3A_401 = arith.addi %mul3A_2, %mul3A_400 : i32
        %dma_start3A_402 = arith.constant 0 : i32
        %dma_start3A_403 = tpu.memref_slice %arg2[%add3A_401, %dma_start3A_402] : memref<8192x2048xf32, #tpu.memory_space<hbm>> -> memref<4x2048xf32, #tpu.memory_space<hbm>>
        %dma_start3A_404 = arith.constant 0 : i32
        %dma_start3A_405 = tpu.memref_slice %arg2[%add3A_401, %dma_start3A_404] : memref<8192x2048xf32, #tpu.memory_space<hbm>> -> memref<4x2048xf32, #tpu.memory_space<hbm>>
        tpu.enqueue_dma source(%dma_start3A_405 : memref<4x2048xf32, #tpu.memory_space<hbm>>) target(%arg9 : memref<4x2048xf32, #tpu.memory_space<vmem>>) target_semaphore(%arg22 : memref<!tpu.dma_semaphore, #tpu.memory_space<semaphore_mem>>)
        %dma_start3A_406 = arith.constant 0 : i32
        %dma_start3A_407 = tpu.memref_slice %arg3[%add3A_401, %dma_start3A_406] : memref<8192x1536xf32, #tpu.memory_space<hbm>> -> memref<4x1536xf32, #tpu.memory_space<hbm>>
        %dma_start3A_408 = arith.constant 0 : i32
        %dma_start3A_409 = tpu.memref_slice %arg3[%add3A_401, %dma_start3A_408] : memref<8192x1536xf32, #tpu.memory_space<hbm>> -> memref<4x1536xf32, #tpu.memory_space<hbm>>
        tpu.enqueue_dma source(%dma_start3A_409 : memref<4x1536xf32, #tpu.memory_space<hbm>>) target(%arg17 : memref<4x1536xf32, #tpu.memory_space<vmem>>) target_semaphore(%arg30 : memref<!tpu.dma_semaphore, #tpu.memory_space<semaphore_mem>>)
      } else {
      }
    }
    %scan3A_53 = arith.constant 8 : i32
    %add3A_54 = arith.constant 224 : i32
    %add3A_55 = arith.addi %mul3A_2, %add3A_54 : i32
    %dma_wait3A = arith.constant 0 : i32
    %dma_wait3A_56 = tpu.memref_slice %arg5[%add3A_55, %dma_wait3A] : memref<8192x2048xf32, #tpu.memory_space<hbm>> -> memref<4x2048xf32, #tpu.memory_space<hbm>>
    %dma_wait3A_57 = arith.constant 0 : i32
    %dma_wait3A_58 = tpu.memref_slice %arg5[%add3A_55, %dma_wait3A_57] : memref<8192x2048xf32, #tpu.memory_space<hbm>> -> memref<4x2048xf32, #tpu.memory_space<hbm>>
    tpu.wait_dma2 semaphore(%arg31 : memref<!tpu.dma_semaphore, #tpu.memory_space<semaphore_mem>>) src(%arg6 : memref<4x2048xf32, #tpu.memory_space<vmem>>) dst(%dma_wait3A_58 : memref<4x2048xf32, #tpu.memory_space<hbm>>)
    %add3A_59 = arith.constant 228 : i32
    %add3A_60 = arith.addi %mul3A_2, %add3A_59 : i32
    %dma_wait3A_61 = arith.constant 0 : i32
    %dma_wait3A_62 = tpu.memref_slice %arg5[%add3A_60, %dma_wait3A_61] : memref<8192x2048xf32, #tpu.memory_space<hbm>> -> memref<4x2048xf32, #tpu.memory_space<hbm>>
    %dma_wait3A_63 = arith.constant 0 : i32
    %dma_wait3A_64 = tpu.memref_slice %arg5[%add3A_60, %dma_wait3A_63] : memref<8192x2048xf32, #tpu.memory_space<hbm>> -> memref<4x2048xf32, #tpu.memory_space<hbm>>
    tpu.wait_dma2 semaphore(%arg32 : memref<!tpu.dma_semaphore, #tpu.memory_space<semaphore_mem>>) src(%arg7 : memref<4x2048xf32, #tpu.memory_space<vmem>>) dst(%dma_wait3A_64 : memref<4x2048xf32, #tpu.memory_space<hbm>>)
    %add3A_65 = arith.constant 232 : i32
    %add3A_66 = arith.addi %mul3A_2, %add3A_65 : i32
    %dma_wait3A_67 = arith.constant 0 : i32
    %dma_wait3A_68 = tpu.memref_slice %arg5[%add3A_66, %dma_wait3A_67] : memref<8192x2048xf32, #tpu.memory_space<hbm>> -> memref<4x2048xf32, #tpu.memory_space<hbm>>
    %dma_wait3A_69 = arith.constant 0 : i32
    %dma_wait3A_70 = tpu.memref_slice %arg5[%add3A_66, %dma_wait3A_69] : memref<8192x2048xf32, #tpu.memory_space<hbm>> -> memref<4x2048xf32, #tpu.memory_space<hbm>>
    tpu.wait_dma2 semaphore(%arg33 : memref<!tpu.dma_semaphore, #tpu.memory_space<semaphore_mem>>) src(%arg8 : memref<4x2048xf32, #tpu.memory_space<vmem>>) dst(%dma_wait3A_70 : memref<4x2048xf32, #tpu.memory_space<hbm>>)
    %add3A_71 = arith.constant 236 : i32
    %add3A_72 = arith.addi %mul3A_2, %add3A_71 : i32
    %dma_wait3A_73 = arith.constant 0 : i32
    %dma_wait3A_74 = tpu.memref_slice %arg5[%add3A_72, %dma_wait3A_73] : memref<8192x2048xf32, #tpu.memory_space<hbm>> -> memref<4x2048xf32, #tpu.memory_space<hbm>>
    %dma_wait3A_75 = arith.constant 0 : i32
    %dma_wait3A_76 = tpu.memref_slice %arg5[%add3A_72, %dma_wait3A_75] : memref<8192x2048xf32, #tpu.memory_space<hbm>> -> memref<4x2048xf32, #tpu.memory_space<hbm>>
    tpu.wait_dma2 semaphore(%arg34 : memref<!tpu.dma_semaphore, #tpu.memory_space<semaphore_mem>>) src(%arg9 : memref<4x2048xf32, #tpu.memory_space<vmem>>) dst(%dma_wait3A_76 : memref<4x2048xf32, #tpu.memory_space<hbm>>)
    %add3A_77 = arith.constant 240 : i32
    %add3A_78 = arith.addi %mul3A_2, %add3A_77 : i32
    %dma_wait3A_79 = arith.constant 0 : i32
    %dma_wait3A_80 = tpu.memref_slice %arg5[%add3A_78, %dma_wait3A_79] : memref<8192x2048xf32, #tpu.memory_space<hbm>> -> memref<4x2048xf32, #tpu.memory_space<hbm>>
    %dma_wait3A_81 = arith.constant 0 : i32
    %dma_wait3A_82 = tpu.memref_slice %arg5[%add3A_78, %dma_wait3A_81] : memref<8192x2048xf32, #tpu.memory_space<hbm>> -> memref<4x2048xf32, #tpu.memory_space<hbm>>
    tpu.wait_dma2 semaphore(%arg35 : memref<!tpu.dma_semaphore, #tpu.memory_space<semaphore_mem>>) src(%arg10 : memref<4x2048xf32, #tpu.memory_space<vmem>>) dst(%dma_wait3A_82 : memref<4x2048xf32, #tpu.memory_space<hbm>>)
    %add3A_83 = arith.constant 244 : i32
    %add3A_84 = arith.addi %mul3A_2, %add3A_83 : i32
    %dma_wait3A_85 = arith.constant 0 : i32
    %dma_wait3A_86 = tpu.memref_slice %arg5[%add3A_84, %dma_wait3A_85] : memref<8192x2048xf32, #tpu.memory_space<hbm>> -> memref<4x2048xf32, #tpu.memory_space<hbm>>
    %dma_wait3A_87 = arith.constant 0 : i32
    %dma_wait3A_88 = tpu.memref_slice %arg5[%add3A_84, %dma_wait3A_87] : memref<8192x2048xf32, #tpu.memory_space<hbm>> -> memref<4x2048xf32, #tpu.memory_space<hbm>>
    tpu.wait_dma2 semaphore(%arg36 : memref<!tpu.dma_semaphore, #tpu.memory_space<semaphore_mem>>) src(%arg11 : memref<4x2048xf32, #tpu.memory_space<vmem>>) dst(%dma_wait3A_88 : memref<4x2048xf32, #tpu.memory_space<hbm>>)
    %add3A_89 = arith.constant 248 : i32
    %add3A_90 = arith.addi %mul3A_2, %add3A_89 : i32
    %dma_wait3A_91 = arith.constant 0 : i32
    %dma_wait3A_92 = tpu.memref_slice %arg5[%add3A_90, %dma_wait3A_91] : memref<8192x2048xf32, #tpu.memory_space<hbm>> -> memref<4x2048xf32, #tpu.memory_space<hbm>>
    %dma_wait3A_93 = arith.constant 0 : i32
    %dma_wait3A_94 = tpu.memref_slice %arg5[%add3A_90, %dma_wait3A_93] : memref<8192x2048xf32, #tpu.memory_space<hbm>> -> memref<4x2048xf32, #tpu.memory_space<hbm>>
    tpu.wait_dma2 semaphore(%arg37 : memref<!tpu.dma_semaphore, #tpu.memory_space<semaphore_mem>>) src(%arg12 : memref<4x2048xf32, #tpu.memory_space<vmem>>) dst(%dma_wait3A_94 : memref<4x2048xf32, #tpu.memory_space<hbm>>)
    %add3A_95 = arith.constant 252 : i32
    %add3A_96 = arith.addi %mul3A_2, %add3A_95 : i32
    %dma_wait3A_97 = arith.constant 0 : i32
    %dma_wait3A_98 = tpu.memref_slice %arg5[%add3A_96, %dma_wait3A_97] : memref<8192x2048xf32, #tpu.memory_space<hbm>> -> memref<4x2048xf32, #tpu.memory_space<hbm>>
    %dma_wait3A_99 = arith.constant 0 : i32
    %dma_wait3A_100 = tpu.memref_slice %arg5[%add3A_96, %dma_wait3A_99] : memref<8192x2048xf32, #tpu.memory_space<hbm>> -> memref<4x2048xf32, #tpu.memory_space<hbm>>
    tpu.wait_dma2 semaphore(%arg38 : memref<!tpu.dma_semaphore, #tpu.memory_space<semaphore_mem>>) src(%arg13 : memref<4x2048xf32, #tpu.memory_space<vmem>>) dst(%dma_wait3A_100 : memref<4x2048xf32, #tpu.memory_space<hbm>>)
    return
  }
}

</mosaic_0001>

<sc_bundles>
// kernel: kernel.3.cloned.1.call-start
scs
__scs_entry_jumppad:
0x0: {  	(pc) =	sbr.rel $0x88, $3  }
0x1: {  	(tag) =	ssettag $0x0;
	lr =	simm.s32 $0x1  }
0x2: {  	[smem:$0x3F9E] =	sst lr;
	_ =	strace $0xD0000000  }
0x3: {  	_ = 	snop  }
0x4: {  	_ = 	snop  }
0x5: {  	_ = 	snop  }
0x6: {  	_ = 	snop  }
0x7: {  	_ = 	snop  }
__scs_overlays_trampoline_lowered:
0x8: {  	[smem:$0x3FAD] =	sst s0  }
0x9: {  	[smem:$0x3FAE] =	sst s1  }
0xa: {  	[smem:$0x3FAF] =	sst s2  }
0xb: {  	[smem:$0x3FB0] =	sst s3  }
0xc: {  	[smem:$0x3FB1] =	sst s4  }
0xd: {  	[smem:$0x3FB2] =	sst s5  }
0xe: {  	[smem:$0x3FB3] =	sst s6  }
0xf: {  	[smem:$0x3FB4] =	sst s7  }
0x10: {  	[smem:$0x3FB5] =	sst s8  }
0x11: {  	[smem:$0x3FB6] =	sst s9;
	s0 =	simm.s32 @!p0 $0x0  }
0x12: {  	s1 =	sld [smem:$0x3F9C];
	s0 =	simm.s32 @p0 $0x1  }
0x13: {  	[smem:$0x3FB7] =	sst s0;
	s0 =	simm.s32 @!p1 $0x0  }
0x14: {  	s2 =	sld [smem:$0x3F9B];
	s0 =	simm.s32 @p1 $0x1  }
0x15: {  	[smem:$0x3FB8] =	sst s0;
	s0 =	simm.s32 @!p2 $0x0  }
0x16: {  	s3 =	sld [smem:$0x3FDB];
	s0 =	simm.s32 @p2 $0x1  }
0x17: {  	s4 =	simm.s32 $0x1BF5;
	[smem:$0x3FBA] =	sst s0  }
0x18: {  	s0 =	sld [smem:$0x3F9D];
	_ =	swait.ge [sflag:s4], $0x0  }
0x19: {  	s7 =	sld [smem:$0x3F9E]  }
0x1a: {  	s8 =	sadd.s32 $0xFFFFE003, lr  }
0x1b: {  	s9 =	sadd.s32 $0xFFFFFEF7, lr;
	s5 =	simm.s32 $0xFFFFFFFF;
	p2 =	slt.u32 s8, $0xFFFFF086  }
0x1c: {  	p1 =	slt.u32 s9, $0xF7A;
	s5 =	simm.s32 @!p2 $0x0  }
0x1d: {  	s5 =	simm.s32 @p1 $0x1;
	p0 =	seq.s32 s7, s2  }
0x1e: {  	s7 =	smul.u32 @!p0 $0xF7A, s2;
	p2 =	seq.s32 @!p0 s5, $0x0  }
0x1f: {  	s9 =	smul.u32 $0xF7A, s1;
	s8 =	simm.s32 @!p0 $0x1BF5;
	p2 =	por !p2, p0  }
0x20: {  	[sflag:s8] =	ssyncset.s32 @!p0 $0xFFFFF086;
	s6 =	sadd.s32 @!p0 s3, s7;
	s7 =	simm.s32 @!p0 $0x108  }
0x21: {  	s3 =	sadd.s32 s3, s9;
	s6 =	sadd.s32 @!p0 $0x88, s6;
	s7 =	simm.s32 @p2 $0x1082  }
0x22: {  	[simem:s7], [sflag:s8] =	dma.local @!p0 [hbm:s6], $0xF7A  }
0x23: {  	s9 =	sor.u32 $0xD0000000, s2;
	s6 =	simm.s32 $0x108;
	_ =	swait.ge @!p0 [sflag:s8], $0x0  }
0x24: {  	s3 =	sadd.s32 $0x88, s3;
	s6 =	simm.s32 @!p1 $0x1082;
	[sflag:s4] =	ssyncset.s32 $0xFFFFF086  }
0x25: {  	[simem:s6], [sflag:s4] =	dma.local [hbm:s3], $0xF7A  }
0x26: {  	[smem:$0x3F9E] =	sst s1;
	(tag) =	ssettag s2;
	_ =	strace s9  }
0x27: {  	s1 =	sld [smem:$0x3FAE]  }
0x28: {  	s2 =	sld [smem:$0x3FAF]  }
0x29: {  	s4 =	sld [smem:$0x3FB1]  }
0x2a: {  	p0 =	seq.s32 s5, $0x0;
	s5 =	sld [smem:$0x3FB2]  }
0x2b: {  	s6 =	sld [smem:$0x3FB3]  }
0x2c: {  	s7 =	sld [smem:$0x3FB4]  }
0x2d: {  	s3 =	simm.s32 $0x108;
	s8 =	sld [smem:$0x3FB5]  }
0x2e: {  	s3 =	simm.s32 @!p0 $0x1082;
	s9 =	sld [smem:$0x3FB6]  }
0x2f: {  	lr =	sadd.s32 s0, s3;
	s0 =	sld [smem:$0x3FAD]  }
0x30: {  	s3 =	sld [smem:$0x3FB0]  }
0x31: {  	[smem:$0x3FB9] =	sst s10  }
0x32: {  	s10 =	sld [smem:$0x3FB7];
	_ =	sdelay $0x3  }
0x33: {  	p0 =	seq.s32 s10, $0x1;
	s10 =	sld [smem:$0x3FB9];
	_ =	sdelay $0x3  }
0x34: {  	[smem:$0x3FB9] =	sst s10  }
0x35: {  	s10 =	sld [smem:$0x3FB8];
	_ =	sdelay $0x3  }
0x36: {  	p1 =	seq.s32 s10, $0x1;
	s10 =	sld [smem:$0x3FB9];
	_ =	sdelay $0x3  }
0x37: {  	[smem:$0x3FB9] =	sst s10  }
0x38: {  	s10 =	sld [smem:$0x3FBA]  }
0x39: {  	_ = 	snop;
	(pc) =	sbr.ind lr, $3  }
0x3a: {  	_ = 	snop  }
0x3b: {  	_ = 	snop  }
0x3c: {  	p2 =	seq.s32 s10, $0x1;
	s10 =	sld [smem:$0x3FB9]  }
0x3d: {  	_ =	shalt  }
0x3e: {  	_ =	shalt  }
0x3f: {  	_ =	shalt  }
0x40: {  	_ =	shalt  }
0x41: {  	_ =	shalt  }
0x42: {  	_ =	shalt  }
0x43: {  	_ =	shalt  }
0x44: {  	_ =	shalt  }
0x45: {  	_ =	shalt  }
0x46: {  	_ =	shalt  }
0x47: {  	_ =	shalt  }
0x48: {  	_ =	shalt  }
0x49: {  	_ =	shalt  }
0x4a: {  	_ =	shalt  }
0x4b: {  	_ =	shalt  }
0x4c: {  	_ =	shalt  }
0x4d: {  	_ =	shalt  }
0x4e: {  	_ =	shalt  }
0x4f: {  	_ =	shalt  }
0x50: {  	_ =	shalt  }
0x51: {  	_ =	shalt  }
0x52: {  	_ =	shalt  }
0x53: {  	_ =	shalt  }
0x54: {  	_ =	shalt  }
0x55: {  	_ =	shalt  }
0x56: {  	_ =	shalt  }
0x57: {  	_ =	shalt  }
0x58: {  	_ =	shalt  }
0x59: {  	_ =	shalt  }
0x5a: {  	_ =	shalt  }
0x5b: {  	_ =	shalt  }
0x5c: {  	_ =	shalt  }
0x5d: {  	_ =	shalt  }
0x5e: {  	_ =	shalt  }
0x5f: {  	_ =	shalt  }
0x60: {  	_ =	shalt  }
0x61: {  	_ =	shalt  }
0x62: {  	_ =	shalt  }
0x63: {  	_ =	shalt  }
0x64: {  	_ =	shalt  }
0x65: {  	_ =	shalt  }
0x66: {  	_ =	shalt  }
0x67: {  	_ =	shalt  }
0x68: {  	_ =	shalt  }
0x69: {  	_ =	shalt  }
0x6a: {  	_ =	shalt  }
0x6b: {  	_ =	shalt  }
0x6c: {  	_ =	shalt  }
0x6d: {  	_ =	shalt  }
0x6e: {  	_ =	shalt  }
0x6f: {  	_ =	shalt  }
0x70: {  	_ =	shalt  }
0x71: {  	_ =	shalt  }
0x72: {  	_ =	shalt  }
0x73: {  	_ =	shalt  }
0x74: {  	_ =	shalt  }
0x75: {  	_ =	shalt  }
0x76: {  	_ =	shalt  }
0x77: {  	_ =	shalt  }
0x78: {  	_ =	shalt  }
0x79: {  	_ =	shalt  }
0x7a: {  	_ =	shalt  }
0x7b: {  	_ =	shalt  }
0x7c: {  	_ =	shalt  }
0x7d: {  	_ =	shalt  }
0x7e: {  	_ =	shalt  }
0x7f: {  	_ =	shalt  }
0x80: {  	_ =	shalt  }
0x81: {  	_ =	shalt  }
0x82: {  	_ =	shalt  }
0x83: {  	_ =	shalt  }
0x84: {  	_ =	shalt  }
0x85: {  	_ =	shalt  }
0x86: {  	_ =	shalt  }
0x87: {  	_ =	shalt  }
.Lfunc_end0:
.L_simem_size_0:
called_computation_lowered:
.L_overlay_start_0:
0x88: {  	s2 =	sld [smem:$0x3FD9]  }
0x89: {  	s3 =	sld [smem:$0x3FFE];
	_ =	sdelay $0x1  }
0x8a: {  	s1 =	srdreg.scid  }
0x8b: {  	s0 =	sand.u32 $0x1, s1  }
0x8c: {  	s18 =	sshll.u32 s0, $0xA;
	s2 =	sadd.s32 s3, s2  }
0x8d: {  	s2 =	sadd.s32 s2, s18  }
0x8e: {  	[smem:$0x3FC5] =	sst s2  }
0x8f: {  	_ = 	snop  }
0x90: {  	s2 =	sld [smem:$0x3FC9]  }
0x91: {  	s19 =	sld [smem:$0x3FC8]  }
0x92: {  	s4 =	sld [smem:$0x3FC7]  }
0x93: {  	s5 =	sld [smem:$0x3FD0];
	(tm) =	ssettm $0x1  }
0x94: {  	s6 =	sld [smem:$0x3FFB];
	_ =	sdelay $0x3  }
0x95: {  	_ =	strace s6  }
0x96: {  	s6 =	sld [smem:$0x3FFC];
	_ =	sdelay $0x3  }
0x97: {  	_ =	strace s6  }
0x98: {  	s6 =	sld [smem:$0x3FFD];
	_ =	sdelay $0x3  }
0x99: {  	_ =	strace s6  }
0x9a: {  	_ =	strace $0x8FFFFFFF  }
0x9b: {  	s20 =	sld [smem:$0x3FDB];
	_ =	sdelay $0x1  }
0x9c: {  	s7 =	simm.s32 $_scs_section_size  }
0x9d: {  	s8 =	simm.s32 $_size__tile_overlayer_lowered;
	s9 =	simm.s32 $_tile_overlayer_lowered  }
0x9e: {  	s23 =	simm.s32 $0x1BFF;
	s22 =	sshll.u32 s9, $0x1;
	s6 =	sadd.s32 s7, s20  }
0x9f: {  	s10 =	simm.s32 $0x0;
	s21 =	sshll.u32 s8, $0x1;
	s8 =	sadd.s32 s22, s6  }
0xa0: {  	[timem:s10], [sflag:s23] =	dma.local [hbm:s8], s21  }
0xa1: {  	_ =	swait.ge [sflag:s23], s21  }
0xa2: {  	s7 =	ssub.s32 $0x0, s21;
	[sflag:s23] =	ssyncset.done $0x0  }
0xa3: {  	[sflag:s23] =	ssyncadd.s32 s7;
	_ =	sdelay $0x1  }
0xa4: {  	s24 =	simm.s32 $0x1B8B  }
0xa5: {  	_ =	swait.ge [sflag:s24], $0x1  }
0xa6: {  	[sflag:s24] =	ssyncset.done $0x0  }
0xa7: {  	s25 =	simm.s32 $0x1B8E;
	[sflag:s24] =	ssyncadd.s32 $0xFFFFFFFF  }
0xa8: {  	s26 =	simm.s32 $execute0_lowered;
	[smem:$0x3FD2] =	sst s25  }
0xa9: {  	s7 =	sshll.u32 s26, $0x1;
	_ =	strace $0x80000046;
	[dreg:$0x1] =	wrdreg $0xFFFFFFFF  }
0xaa: {  	s28 =	simm.s32 $_size_execute0_lowered;
	s6 =	sadd.s32 s6, s7;
	[dreg:$0x0] =	wrdreg $0x0  }
0xab: {  	s7 =	sshll.u32 s28, $0x1;
	[dreg:$0x2] =	wrdreg s6  }
0xac: {  	[dreg:$0x3] =	wrdreg s7  }
0xad: {  	[dreg:$0x4] =	wrdreg $0xC0  }
0xae: {  	_ =	task [dreg:s10], $0x5FFFF  }
0xaf: {  	[dreg:$0x1] =	wrdreg $0xFFFFFFFF  }
0xb0: {  	[dreg:$0x0] =	wrdreg $0x60  }
0xb1: {  	[dreg:$0x2] =	wrdreg s2  }
0xb2: {  	[dreg:$0x3] =	wrdreg s19  }
0xb3: {  	[dreg:$0x4] =	wrdreg s4  }
0xb4: {  	[dreg:$0x5] =	wrdreg s5  }
0xb5: {  	[dreg:$0x6] =	wrdreg $0x9  }
0xb6: {  	_ =	task.clear_ibuf [dreg:s10], $0x7FFFF;
	_ =	strace $0x90000046  }
0xb7: {  	s29 =	simm.s32 $0x9;
	_ =	strace $0x80000048  }
0xb8: {  	_ =	swait.ge [sflag:s29], $0x1  }
0xb9: {  	[sflag:s29] =	ssyncadd.s32 $0xFFFFFFFF  }
0xba: {  	_ =	strace $0x90000048  }
0xbb: {  	_ =	sfence  }
0xbc: {  	s30 =	sld [smem:$0x0];
	_ =	sdelay $0x2  }
0xbd: {  	s31 =	sshll.u32 s1, $0xD;
	s1 =	sshrl.u32 s1, $0x2  }
0xbe: {  	s3 =	sand.u32 $0x4000, s31;
	s1 =	sadd.s32 s1, s30  }
0xbf: {  	s0 =	sor.u32 s3, s0;
	s1 =	sshll.u32 s1, $0x11  }
0xc0: {  	s0 =	sor.u32 s1, s0  }
0xc1: {  	s0 =	sadd.s32 $0x8F2B, s0  }
0xc2: {  	[sflag:s0] =	ssyncadd.remote.s32 $0x1  }
0xc3: {  	_ =	sfence.sel $0xFFFF  }
0xc4: {  	[dreg:$0x0] =	wrdreg $0xFFFFFFFF;
	(pc) =	sbr.abs _section_cstart, $3  }
0xc5: {  	[dreg:$0x1] =	wrdreg $0xFFFFFFFF  }
0xc6: {  	_ =	task.clear_ibuf [dreg:s10], $0x2FFFF;
	_ =	strace $0x9FFFFFFF  }
0xc7: {  	(tm) =	ssettm $0x7FFFFFFF  }
tec
execute0_lowered:
.L_overlay_start_1:
0x0: {  	(tag) =	ssettag $0x1  }
0x1: {  	s1 =	rddreg [dreg:$0x0]  }
0x2: {  	s7 =	rddreg [dreg:$0x1]  }
0x3: {  	s5 =	rddreg [dreg:$0x3]  }
0x4: {  	s0 =	srdreg.scid;
	s2 =	stileid.u32  }
0x5: {  	s6 =	simm.s32 $0x0;
	s29 =	simm.s32 $0x4000;
	s31 =	simm.s32 $0x6000  }
0x6: {  	s14 =	simm.s32 $0xA;
	s15 =	simm.s32 $0xA000;
	s17 =	simm.s32 $0xB  }
0x7: {  	s18 =	simm.s32 $0xC000;
	s0 =	sand.u32 $0x1, s0;
	s2 =	sshll.u32 s2, $0x9  }
0x8: {  	[smem:$0x7FF] =	sst s6;
	s10 =	sadd.s32 $0x40, s1;
	s13 =	sadd.s32 $0x40, s7  }
0x9: {  	s26 =	sadd.s32 $0x40, s5;
	_ =	strace $0x80000047;
	[dreg:$0x9] =	wrdreg s10  }
0xa: {  	s3 =	sshll.u32 s0, $0x8;
	s0 =	ssub.s32 $0x2, s0;
	[dreg:$0x10] =	wrdreg s26  }
0xb: {  	s26 =	simm.s32 $0x2000;
	s8 =	sor.u32 s3, s2;
	s19 =	sshrl.u32 s0, $0x1  }
0xc: {  	s3 =	simm.s32 $0x0;
	s9 =	sshll.u32 s8, $0x8;
	[dreg:$0x5] =	wrdreg s8  }
0xd: {  	s2 =	sshrl.u32 s8, $0x3;
	s28 =	sor.u32 $0x20, s8;
	[dreg:$0x6] =	wrdreg s9  }
0xe: {  	s0 =	ssub.s32 s0, s19;
	s30 =	sor.u32 $0x28, s8;
	[dreg:$0x11] =	wrdreg s28  }
0xf: {  	s4 =	smul.u32 $0x600, s2;
	s20 =	sadd.s32 s1, s9;
	[dreg:$0x12] =	wrdreg s30  }
0x10: {  	s2 =	sor.u32 $0x1, s2;
	s9 =	sadd.s32 s9, s10;
	[dreg:$0x7] =	wrdreg s20  }
0x11: {  	s0 =	smax.u32 s0, $0x1;
	s22 =	smul.u32 $0x600, s2;
	[dreg:$0xa] =	wrdreg s9  }
0x12: {  	s2 =	sshll.u32 s2, $0xB;
	[dreg:$0x13] =	wrdreg s0;
	s21 =	sadd.s32 s7, s4  }
0x13: {  	s9 =	simm.s32 $0x9;
	s4 =	sadd.s32 s4, s13;
	[dreg:$0x8] =	wrdreg s21  }
.Ltmp0:
0x14: {  	s23 =	sadd.s32 s1, s2;
	[dreg:$0xb] =	wrdreg s4;
	(pc) =	sbr.rel .LBB2_1-.Ltmp0, $4  }
0x15: {  	s2 =	sadd.s32 s2, s10;
	s10 =	simm.s32 $0x8000;
	[dreg:$0xc] =	wrdreg s23  }
0x16: {  	s24 =	sadd.s32 s7, s22;
	[dreg:$0xe] =	wrdreg s2;
	s25 =	sadd.s32 s22, s13  }
0x17: {  	s23 =	simm.s32 $0x200;
	s4 =	simm.s32 $0xC;
	[dreg:$0xd] =	wrdreg s24  }
0x18: {  	[dreg:$0xf] =	wrdreg s25;
	s24 =	simm.s32 $0x400;
	s25 =	simm.s32 $0xE000  }
.LBB2_20:
0x19: {  	s0 =	simm.s32 $0xD  }
0x1a: {  	_ =	swait.ge [sflag:s0], $0x2000  }
0x1b: {  	[sflag:s0] =	ssyncset.done $0x0  }
0x1c: {  	s16 =	simm.s32 $0xE;
	[sflag:s0] =	ssyncadd.s32 $0xFFFFE000  }
0x1d: {  	_ =	swait.ge [sflag:s16], $0x2000  }
0x1e: {  	[sflag:s16] =	ssyncset.done $0x0  }
0x1f: {  	s19 =	simm.s32 $0xF;
	[sflag:s16] =	ssyncadd.s32 $0xFFFFE000  }
0x20: {  	_ =	swait.ge [sflag:s19], $0x2000  }
0x21: {  	[sflag:s19] =	ssyncset.done $0x0  }
0x22: {  	s20 =	simm.s32 $0x10;
	[sflag:s19] =	ssyncadd.s32 $0xFFFFE000  }
0x23: {  	_ =	swait.ge [sflag:s20], $0x2000  }
0x24: {  	[sflag:s20] =	ssyncset.done $0x0  }
0x25: {  	s21 =	simm.s32 $0x11;
	[sflag:s20] =	ssyncadd.s32 $0xFFFFE000  }
0x26: {  	_ =	swait.ge [sflag:s21], $0x2000  }
0x27: {  	[sflag:s21] =	ssyncset.done $0x0  }
0x28: {  	s22 =	simm.s32 $0x12;
	[sflag:s21] =	ssyncadd.s32 $0xFFFFE000  }
0x29: {  	_ =	swait.ge [sflag:s22], $0x2000  }
0x2a: {  	[sflag:s22] =	ssyncset.done $0x0  }
0x2b: {  	s28 =	simm.s32 $0x13;
	[sflag:s22] =	ssyncadd.s32 $0xFFFFE000  }
0x2c: {  	_ =	swait.ge [sflag:s28], $0x2000  }
0x2d: {  	[sflag:s28] =	ssyncset.done $0x0  }
0x2e: {  	s2 =	simm.s32 $0x14;
	[sflag:s28] =	ssyncadd.s32 $0xFFFFE000  }
0x2f: {  	_ =	swait.ge [sflag:s2], $0x2000  }
0x30: {  	s3 =	rddreg [dreg:$0x14]  }
0x31: {  	s30 =	rddreg [dreg:$0x13];
	s3 =	sadd.s32 $0x1, s3  }
0x32: {  	p0 =	sne.s32 s3, s30  }
.Ltmp1:
0x33: {  	_ = 	snop;
	(pc) =	sbr.rel @!p0 .LBB2_21-.Ltmp1, $3  }
0x34: {  	_ =	sdelay $0x1  }
0x35: {  	[sflag:s2] =	ssyncset.done $0x0  }
0x36: {  	[sflag:s2] =	ssyncadd.s32 $0xFFFFE000  }
.LBB2_1:
0x37: {  	[dreg:$0x14] =	wrdreg s3  }
0x38: {  	s0 =	rddreg [dreg:$0x7]  }
0x39: {  	[tilespmem:s6], [sflag:$0x1] =	stream.strided.gather [hbm4b:s0+s23], $0x2000, s24, s23, $0x38;
	[tilespmem:$0x16600] =	vst v63  }
0x3a: {  	s30 =	rddreg [dreg:$0x8];
	s2 =	simm.s32 $0x10000  }
0x3b: {  	[tilespmem:s2], [sflag:$0x9] =	stream.strided.gather [hbm4b:s30+s23], $0x1800, s24, s23, $0x38;
	[tilespmem:$0x16600] =	vst v63  }
0x3c: {  	s3 =	rddreg [dreg:$0xa]  }
0x3d: {  	[tilespmem:s26], [sflag:$0x2] =	stream.strided.gather [hbm4b:s3+s23], $0x2000, s24, s23, $0x38;
	[tilespmem:$0x16600] =	vst v63  }
0x3e: {  	s7 =	rddreg [dreg:$0xb];
	s8 =	simm.s32 $0x11800  }
0x3f: {  	[tilespmem:s8], [sflag:$0xA] =	stream.strided.gather [hbm4b:s7+s23], $0x1800, s24, s23, $0x38;
	[tilespmem:$0x16600] =	vst v63  }
0x40: {  	s11 =	rddreg [dreg:$0xc]  }
0x41: {  	[tilespmem:s29], [sflag:$0x3] =	stream.strided.gather [hbm4b:s11+s23], $0x2000, s24, s23, $0x38;
	[tilespmem:$0x16600] =	vst v63  }
0x42: {  	s12 =	rddreg [dreg:$0xd];
	s16 =	simm.s32 $0x13000  }
0x43: {  	[tilespmem:s16], [sflag:$0xB] =	stream.strided.gather [hbm4b:s12+s23], $0x1800, s24, s23, $0x38;
	[tilespmem:$0x16600] =	vst v63  }
0x44: {  	s19 =	rddreg [dreg:$0xe]  }
0x45: {  	[tilespmem:s31], [sflag:$0x4] =	stream.strided.gather [hbm4b:s19+s23], $0x2000, s24, s23, $0x38;
	[tilespmem:$0x16600] =	vst v63  }
0x46: {  	s20 =	rddreg [dreg:$0xf];
	s21 =	simm.s32 $0x14800  }
0x47: {  	[tilespmem:s21], [sflag:$0xC] =	stream.strided.gather [hbm4b:s20+s23], $0x1800, s24, s23, $0x38;
	[tilespmem:$0x16600] =	vst v63  }
0x48: {  	s22 =	rddreg [dreg:$0x2];
	s28 =	simm.s32 $0x16000;
	s30 =	simm.s32 $0x15  }
0x49: {  	[tilespmem:s28], [sflag:$0x15] =	stream.linear.gather [hbm4b:s22+s6], $0x600, $0x38;
	[tilespmem:$0x16600] =	vst v63  }
0x4a: {  	_ =	swait.ge [sflag:s30], $0x600  }
0x4b: {  	[sflag:s30] =	ssyncset.done $0x0  }
0x4c: {  	s0 =	simm.s32 $0x0;
	[sflag:s30] =	ssyncadd.s32 $0xFFFFFA00  }
.LBB2_2:
0x4d: {  	s2 =	simm.s32 $0x1  }
0x4e: {  	_ =	swait.ge [sflag:s2], $0x2000  }
0x4f: {  	[sflag:s2] =	ssyncset.done $0x0  }
0x50: {  	[sflag:s2] =	ssyncadd.s32 $0xFFFFE000  }
0x51: {  	_ =	swait.ge [sflag:s9], $0x1800  }
0x52: {  	[sflag:s9] =	ssyncset.done $0x0  }
0x53: {  	s19 =	simm.s32 $0x0;
	[sflag:s9] =	ssyncadd.s32 $0xFFFFE800  }
0x54: {  	v0 =	vld [tilespmem:s19+$0x16000];
	_ =	sdelay $0x3  }
0x55: {  	s20 =	simm.s32 $0x0  }
0x56: {  	s3 =	sand.u32 $0x70, s20;
	s2 =	sand.u32 $0x1E00, s20;
	v1 =	vshll.u32 v0, $0x2  }
0x57: {  	s2 =	sor.u32 s3, s2;
	v0 =	vand.u32 $0x7F, v0;
	v1 =	vand.u32 $0xFFFFFE00, v1  }
0x58: {  	v2 =	vld [tilespmem:s2+$0x10000];
	v1 =	vor.u32 v0, v1  }
0x59: {  	s21 =	simm.s32 $0x10  }
0x5a: {  	v0 =	vld [tilespmem:s21+$0x16000];
	_ =	sdelay $0x2  }
0x5b: {  	[tilespmem:v1+s6+$0x0] =	vst.idx.add.f32.msk $0xffff, v2  }
0x5c: {  	s22 =	simm.s32 $0x10;
	s7 =	simm.s32 $0x40;
	v3 =	vor.u32 $0x80, v1;
	v2 =	vld [tilespmem:s2+$0x10080]  }
0x5d: {  	s28 =	simm.s32 $0x20;
	s7 =	sand.u32 $0x1E00, s7;
	s3 =	sand.u32 $0x70, s22;
	v4 =	vshll.u32 v0, $0x2  }
0x5e: {  	s3 =	sor.u32 s3, s7;
	v6 =	vld [tilespmem:s28+$0x16000];
	v0 =	vand.u32 $0x7F, v0;
	v4 =	vand.u32 $0xFFFFFE00, v4  }
0x5f: {  	v5 =	vld [tilespmem:s3+$0x10000];
	v0 =	vor.u32 v0, v4;
	_ =	sdelay $0x1  }
0x60: {  	[tilespmem:v3+s6+$0x0] =	vst.idx.add.f32.msk $0xffff, v2  }
0x61: {  	v3 =	vor.u32 $0x100, v1;
	v2 =	vld [tilespmem:s2+$0x10100]  }
0x62: {  	s30 =	simm.s32 $0x20;
	s8 =	simm.s32 $0x80;
	v7 =	vshll.u32 v6, $0x2  }
0x63: {  	s8 =	sand.u32 $0x1E00, s8;
	s7 =	sand.u32 $0x70, s30;
	v6 =	vand.u32 $0x7F, v6;
	v7 =	vand.u32 $0xFFFFFE00, v7;
	[tilespmem:v0+s6+$0x0] =	vst.idx.add.f32.msk $0xffff, v5  }
0x64: {  	s7 =	sor.u32 s7, s8;
	v7 =	vor.u32 v6, v7;
	v6 =	vor.u32 $0x80, v0;
	v4 =	vld [tilespmem:s3+$0x10080]  }
0x65: {  	v5 =	vld [tilespmem:s7+$0x10000]  }
0x66: {  	[tilespmem:v3+s6+$0x0] =	vst.idx.add.f32.msk $0xffff, v2  }
0x67: {  	s11 =	simm.s32 $0x30;
	v3 =	vor.u32 $0x180, v1;
	v2 =	vld [tilespmem:s2+$0x10180]  }
0x68: {  	s12 =	simm.s32 $0x30;
	s16 =	simm.s32 $0x40;
	s8 =	simm.s32 $0xC0;
	v8 =	vld [tilespmem:s11+$0x16000];
	v1 =	vmov v7  }
.LBB2_3:
0x69: {  	p0 =	sne.s32 s16, $0x5F0;
	[tilespmem:v6+s6+$0x0] =	vst.idx.add.f32.msk $0xffff, v4  }
0x6a: {  	v10 =	vor.u32 $0x100, v0;
	v9 =	vld [tilespmem:s3+$0x10100]  }
0x6b: {  	[tilespmem:v7+s6+$0x0] =	vst.idx.add.f32.msk $0xffff, v5  }
0x6c: {  	s2 =	sand.u32 $0x70, s12;
	s11 =	sand.u32 $0x1E00, s8;
	s12 =	smov.u32 s16;
	[tilespmem:v3+s6+$0x0] =	vst.idx.add.f32.msk $0xffff, v2  }
.Ltmp2:
0x6d: {  	v6 =	vor.u32 $0x80, v1;
	s2 =	sor.u32 s2, s11;
	v2 =	vshll.u32 v8, $0x2;
	v4 =	vld [tilespmem:s7+$0x10080];
	(pc) =	sbr.rel @p0 .LBB2_3-.Ltmp2, $4  }
0x6e: {  	v3 =	vand.u32 $0x7F, v8;
	v5 =	vld [tilespmem:s2+$0x10000];
	v2 =	vand.u32 $0xFFFFFE00, v2  }
0x6f: {  	s8 =	sadd.s32 $0x40, s8;
	v7 =	vor.u32 v3, v2;
	[tilespmem:v10+s6+$0x0] =	vst.idx.add.f32.msk $0xffff, v9  }
0x70: {  	s11 =	sshra.s32 s8, $0x2;
	v3 =	vor.u32 $0x180, v0;
	v0 =	vmov v1;
	v2 =	vld [tilespmem:s3+$0x10180];
	v1 =	vmov v7;
	s3 =	smov.u32 s7;
	s7 =	smov.u32 s2  }
0x71: {  	s16 =	sadd.s32 $0x10, s16;
	v8 =	vld [tilespmem:s11+$0x16000]  }
0x72: {  	_ =	sdelay $0x3  }
0x73: {  	[tilespmem:v7+s6+$0x0] =	vst.idx.add.f32.msk $0xffff, v5  }
0x74: {  	s2 =	sand.u32 $0x70, s12;
	s8 =	sand.u32 $0x1E00, s8;
	v7 =	vor.u32 $0x80, v1;
	v5 =	vld [tilespmem:s7+$0x10080];
	v9 =	vshll.u32 v8, $0x2  }
0x75: {  	s2 =	sor.u32 s2, s8;
	v8 =	vand.u32 $0x7F, v8;
	v9 =	vand.u32 $0xFFFFFE00, v9  }
0x76: {  	v10 =	vld [tilespmem:s2+$0x10000];
	v8 =	vor.u32 v8, v9;
	_ =	sdelay $0x1  }
0x77: {  	[tilespmem:v6+s6+$0x0] =	vst.idx.add.f32.msk $0xffff, v4  }
0x78: {  	[tilespmem:v7+s6+$0x0] =	vst.idx.add.f32.msk $0xffff, v5  }
0x79: {  	v5 =	vld [tilespmem:s7+$0x10100]  }
0x7a: {  	v7 =	vor.u32 $0x100, v1;
	[tilespmem:v8+s6+$0x0] =	vst.idx.add.f32.msk $0xffff, v10  }
0x7b: {  	v6 =	vor.u32 $0x80, v8;
	v4 =	vld [tilespmem:s2+$0x10080];
	_ =	sdelay $0x2  }
0x7c: {  	v9 =	vld [tilespmem:s3+$0x10100];
	v10 =	vor.u32 $0x100, v0  }
0x7d: {  	[tilespmem:v7+s6+$0x0] =	vst.idx.add.f32.msk $0xffff, v5  }
0x7e: {  	[tilespmem:v6+s6+$0x0] =	vst.idx.add.f32.msk $0xffff, v4  }
0x7f: {  	v6 =	vor.u32 $0x100, v8;
	v4 =	vld [tilespmem:s2+$0x10100]  }
0x80: {  	v7 =	vld [tilespmem:s7+$0x10180]  }
0x81: {  	v1 =	vor.u32 $0x180, v1;
	[tilespmem:v10+s6+$0x0] =	vst.idx.add.f32.msk $0xffff, v9  }
0x82: {  	v0 =	vor.u32 $0x180, v0;
	v5 =	vld [tilespmem:s3+$0x10180]  }
0x83: {  	[tilespmem:v3+s6+$0x0] =	vst.idx.add.f32.msk $0xffff, v2  }
0x84: {  	[tilespmem:v6+s6+$0x0] =	vst.idx.add.f32.msk $0xffff, v4  }
0x85: {  	v6 =	vor.u32 $0x180, v8;
	v4 =	vld [tilespmem:s2+$0x10180]  }
0x86: {  	[tilespmem:v1+s6+$0x0] =	vst.idx.add.f32.msk $0xffff, v7  }
0x87: {  	[tilespmem:v0+s6+$0x0] =	vst.idx.add.f32.msk $0xffff, v5  }
0x88: {  	s19 =	sshll.u32 s0, $0xD;
	s20 =	rddreg [dreg:$0x6]  }
0x89: {  	s16 =	sadd.s32 s20, s19  }
0x8a: {  	p0 =	seq.s32 s0, $0x0;
	s2 =	sadd.s32 s5, s16;
	[tilespmem:v6+s6+$0x0] =	vst.idx.add.f32.msk $0xffff, v4  }
0x8b: {  	[hbm4b:s2+s23] =	stream.strided.scatter [tilespmem:s6], [sflag:$0xD], $0x2000, s24, s23, $0x38;
	[tilespmem:$0x16600] =	vst v63  }
0x8c: {  	s3 =	sshll.u32 s0, $0x5;
	s2 =	simm.s32 @!p0 $0x11;
	s21 =	rddreg [dreg:$0x5]  }
0x8d: {  	s12 =	sor.u32 s3, s21;
	_ =	swait.ge @!p0 [sflag:s2], $0x2000  }
0x8e: {  	s7 =	sor.u32 $0x10, s12;
	[sflag:s2] =	ssyncset.done @!p0 $0x0  }
0x8f: {  	s28 =	sshll.u32 s7, $0x8;
	s7 =	sshrl.u32 s7, $0x3;
	[sflag:s2] =	ssyncadd.s32 @!p0 $0xFFFFE000  }
0x90: {  	s22 =	sadd.s32 s1, s28;
	s30 =	smul.u32 $0x600, s7;
	s7 =	rddreg [dreg:$0x1]  }
0x91: {  	[tilespmem:s10], [sflag:$0x5] =	stream.strided.gather [hbm4b:s22+s23], $0x2000, s24, s23, $0x38;
	[tilespmem:$0x16600] =	vst v63  }
0x92: {  	s11 =	simm.s32 $0x2;
	s8 =	simm.s32 $0x10000;
	s2 =	sadd.s32 s7, s30  }
0x93: {  	[tilespmem:s8], [sflag:$0x9] =	stream.strided.gather [hbm4b:s2+s23], $0x1800, s24, s23, $0x38;
	[tilespmem:$0x16600] =	vst v63  }
0x94: {  	_ =	swait.ge [sflag:s11], $0x2000  }
0x95: {  	[sflag:s11] =	ssyncset.done $0x0  }
0x96: {  	[sflag:s11] =	ssyncadd.s32 $0xFFFFE000  }
0x97: {  	_ =	swait.ge [sflag:s14], $0x1800  }
0x98: {  	[sflag:s14] =	ssyncset.done $0x0  }
0x99: {  	s19 =	simm.s32 $0x0;
	[sflag:s14] =	ssyncadd.s32 $0xFFFFE800  }
0x9a: {  	v0 =	vld [tilespmem:s19+$0x16000];
	_ =	sdelay $0x3  }
0x9b: {  	s20 =	simm.s32 $0x0  }
0x9c: {  	s21 =	sand.u32 $0x70, s20;
	s2 =	sand.u32 $0x1E00, s20;
	v1 =	vshll.u32 v0, $0x2  }
0x9d: {  	s2 =	sor.u32 s21, s2;
	v0 =	vand.u32 $0x7F, v0;
	v1 =	vand.u32 $0xFFFFFE00, v1  }
0x9e: {  	v2 =	vld [tilespmem:s2+$0x11800];
	v1 =	vor.u32 v0, v1  }
0x9f: {  	s22 =	simm.s32 $0x10  }
0xa0: {  	v0 =	vld [tilespmem:s22+$0x16000];
	_ =	sdelay $0x2  }
0xa1: {  	s2 =	sadd.s32 $0x11800, s2;
	[tilespmem:v1+s26+$0x0] =	vst.idx.add.f32.msk $0xffff, v2  }
0xa2: {  	s8 =	simm.s32 $0x10;
	s11 =	simm.s32 $0x40;
	v3 =	vor.u32 $0x80, v1;
	v2 =	vld [tilespmem:s2+$0x80]  }
0xa3: {  	s7 =	sand.u32 $0x70, s8;
	s8 =	sand.u32 $0x1E00, s11;
	s19 =	simm.s32 $0x20;
	v4 =	vshll.u32 v0, $0x2  }
0xa4: {  	s7 =	sor.u32 s7, s8;
	v6 =	vld [tilespmem:s19+$0x16000];
	v0 =	vand.u32 $0x7F, v0;
	v4 =	vand.u32 $0xFFFFFE00, v4  }
0xa5: {  	v5 =	vld [tilespmem:s7+$0x11800];
	v0 =	vor.u32 v0, v4;
	_ =	sdelay $0x1  }
0xa6: {  	[tilespmem:v3+s26+$0x0] =	vst.idx.add.f32.msk $0xffff, v2  }
0xa7: {  	v3 =	vor.u32 $0x100, v1;
	v2 =	vld [tilespmem:s2+$0x100]  }
0xa8: {  	s20 =	simm.s32 $0x20;
	s11 =	simm.s32 $0x80;
	v7 =	vshll.u32 v6, $0x2  }
0xa9: {  	s8 =	sand.u32 $0x70, s20;
	s11 =	sand.u32 $0x1E00, s11;
	s7 =	sadd.s32 $0x11800, s7;
	v6 =	vand.u32 $0x7F, v6;
	v7 =	vand.u32 $0xFFFFFE00, v7;
	[tilespmem:v0+s26+$0x0] =	vst.idx.add.f32.msk $0xffff, v5  }
0xaa: {  	s22 =	sor.u32 s8, s11;
	v7 =	vor.u32 v6, v7;
	v6 =	vor.u32 $0x80, v0;
	v4 =	vld [tilespmem:s7+$0x80]  }
0xab: {  	v5 =	vld [tilespmem:s22+$0x11800]  }
0xac: {  	[tilespmem:v3+s26+$0x0] =	vst.idx.add.f32.msk $0xffff, v2  }
0xad: {  	s21 =	simm.s32 $0x30;
	v3 =	vor.u32 $0x180, v1;
	v2 =	vld [tilespmem:s2+$0x180]  }
0xae: {  	s20 =	simm.s32 $0x40;
	v8 =	vld [tilespmem:s21+$0x16000];
	s8 =	simm.s32 $0xC0;
	v1 =	vmov v7;
	s2 =	simm.s32 $0x30  }
.LBB2_5:
0xaf: {  	p1 =	sne.s32 s20, $0x5F0;
	[tilespmem:v6+s26+$0x0] =	vst.idx.add.f32.msk $0xffff, v4  }
0xb0: {  	v10 =	vor.u32 $0x100, v0;
	v9 =	vld [tilespmem:s7+$0x100]  }
0xb1: {  	[tilespmem:v7+s26+$0x0] =	vst.idx.add.f32.msk $0xffff, v5  }
0xb2: {  	s2 =	sand.u32 $0x70, s2;
	s11 =	sand.u32 $0x1E00, s8;
	s21 =	sadd.s32 $0x11800, s22;
	[tilespmem:v3+s26+$0x0] =	vst.idx.add.f32.msk $0xffff, v2  }
.Ltmp3:
0xb3: {  	v6 =	vor.u32 $0x80, v1;
	s22 =	sor.u32 s2, s11;
	s2 =	smov.u32 s20;
	v2 =	vshll.u32 v8, $0x2;
	v4 =	vld [tilespmem:s21+$0x80];
	(pc) =	sbr.rel @p1 .LBB2_5-.Ltmp3, $4  }
0xb4: {  	v3 =	vand.u32 $0x7F, v8;
	v5 =	vld [tilespmem:s22+$0x11800];
	v2 =	vand.u32 $0xFFFFFE00, v2  }
0xb5: {  	s8 =	sadd.s32 $0x40, s8;
	v7 =	vor.u32 v3, v2;
	[tilespmem:v10+s26+$0x0] =	vst.idx.add.f32.msk $0xffff, v9  }
0xb6: {  	s11 =	sshra.s32 s8, $0x2;
	v3 =	vor.u32 $0x180, v0;
	v0 =	vmov v1;
	v2 =	vld [tilespmem:s7+$0x180];
	v1 =	vmov v7;
	s7 =	smov.u32 s21  }
0xb7: {  	s20 =	sadd.s32 $0x10, s20;
	v8 =	vld [tilespmem:s11+$0x16000]  }
0xb8: {  	_ =	sdelay $0x3  }
0xb9: {  	s2 =	sand.u32 $0x70, s2;
	s8 =	sand.u32 $0x1E00, s8;
	v9 =	vshll.u32 v8, $0x2  }
0xba: {  	s2 =	sor.u32 s2, s8;
	v8 =	vand.u32 $0x7F, v8;
	v9 =	vand.u32 $0xFFFFFE00, v9  }
0xbb: {  	v10 =	vld [tilespmem:s2+$0x11800];
	v8 =	vor.u32 v8, v9  }
0xbc: {  	s22 =	sadd.s32 $0x11800, s22;
	[tilespmem:v7+s26+$0x0] =	vst.idx.add.f32.msk $0xffff, v5  }
0xbd: {  	v7 =	vor.u32 $0x80, v1;
	v5 =	vld [tilespmem:s22+$0x80];
	_ =	sdelay $0x1  }
0xbe: {  	[tilespmem:v6+s26+$0x0] =	vst.idx.add.f32.msk $0xffff, v4  }
0xbf: {  	s2 =	sadd.s32 $0x11800, s2;
	[tilespmem:v8+s26+$0x0] =	vst.idx.add.f32.msk $0xffff, v10  }
0xc0: {  	v6 =	vor.u32 $0x80, v8;
	v4 =	vld [tilespmem:s2+$0x80]  }
0xc1: {  	[tilespmem:v7+s26+$0x0] =	vst.idx.add.f32.msk $0xffff, v5  }
0xc2: {  	v7 =	vor.u32 $0x100, v1;
	v5 =	vld [tilespmem:s22+$0x100];
	_ =	sdelay $0x1  }
0xc3: {  	v9 =	vld [tilespmem:s7+$0x100];
	v10 =	vor.u32 $0x100, v0  }
0xc4: {  	[tilespmem:v6+s26+$0x0] =	vst.idx.add.f32.msk $0xffff, v4  }
0xc5: {  	v6 =	vor.u32 $0x100, v8;
	v4 =	vld [tilespmem:s2+$0x100]  }
0xc6: {  	[tilespmem:v7+s26+$0x0] =	vst.idx.add.f32.msk $0xffff, v5  }
0xc7: {  	v7 =	vld [tilespmem:s22+$0x180]  }
0xc8: {  	[tilespmem:v10+s26+$0x0] =	vst.idx.add.f32.msk $0xffff, v9  }
0xc9: {  	v1 =	vor.u32 $0x180, v1;
	v5 =	vld [tilespmem:s7+$0x180]  }
0xca: {  	v0 =	vor.u32 $0x180, v0;
	[tilespmem:v6+s26+$0x0] =	vst.idx.add.f32.msk $0xffff, v4  }
0xcb: {  	v6 =	vor.u32 $0x180, v8;
	v4 =	vld [tilespmem:s2+$0x180];
	_ =	sdelay $0x1  }
0xcc: {  	[tilespmem:v3+s26+$0x0] =	vst.idx.add.f32.msk $0xffff, v2  }
0xcd: {  	[tilespmem:v1+s26+$0x0] =	vst.idx.add.f32.msk $0xffff, v7  }
0xce: {  	[tilespmem:v0+s26+$0x0] =	vst.idx.add.f32.msk $0xffff, v5  }
0xcf: {  	[tilespmem:v6+s26+$0x0] =	vst.idx.add.f32.msk $0xffff, v4  }
0xd0: {  	s11 =	rddreg [dreg:$0x10]  }
0xd1: {  	s2 =	sadd.s32 s16, s11  }
0xd2: {  	[hbm4b:s2+s23] =	stream.strided.scatter [tilespmem:s26], [sflag:$0xE], $0x2000, s24, s23, $0x38;
	[tilespmem:$0x16600] =	vst v63  }
0xd3: {  	s2 =	simm.s32 @!p0 $0x12  }
0xd4: {  	_ =	swait.ge @!p0 [sflag:s2], $0x2000  }
0xd5: {  	s22 =	sor.u32 $0x40, s28;
	[sflag:s2] =	ssyncset.done @!p0 $0x0  }
0xd6: {  	s16 =	sadd.s32 s1, s22;
	[sflag:s2] =	ssyncadd.s32 @!p0 $0xFFFFE000  }
0xd7: {  	[tilespmem:s15], [sflag:$0x6] =	stream.strided.gather [hbm4b:s16+s23], $0x2000, s24, s23, $0x38;
	[tilespmem:$0x16600] =	vst v63  }
0xd8: {  	s19 =	sadd.s32 s30, s13;
	s20 =	simm.s32 $0x11800;
	s21 =	simm.s32 $0x3  }
0xd9: {  	[tilespmem:s20], [sflag:$0xA] =	stream.strided.gather [hbm4b:s19+s23], $0x1800, s24, s23, $0x38;
	[tilespmem:$0x16600] =	vst v63  }
0xda: {  	_ =	swait.ge [sflag:s21], $0x2000  }
0xdb: {  	[sflag:s21] =	ssyncset.done $0x0  }
0xdc: {  	[sflag:s21] =	ssyncadd.s32 $0xFFFFE000  }
0xdd: {  	_ =	swait.ge [sflag:s17], $0x1800  }
0xde: {  	[sflag:s17] =	ssyncset.done $0x0  }
0xdf: {  	s30 =	simm.s32 $0x0;
	[sflag:s17] =	ssyncadd.s32 $0xFFFFE800  }
0xe0: {  	v0 =	vld [tilespmem:s30+$0x16000];
	_ =	sdelay $0x3  }
0xe1: {  	s7 =	simm.s32 $0x0  }
0xe2: {  	s8 =	sand.u32 $0x70, s7;
	s2 =	sand.u32 $0x1E00, s7;
	v1 =	vshll.u32 v0, $0x2  }
0xe3: {  	s2 =	sor.u32 s8, s2;
	v0 =	vand.u32 $0x7F, v0;
	v1 =	vand.u32 $0xFFFFFE00, v1  }
0xe4: {  	v2 =	vld [tilespmem:s2+$0x13000];
	v1 =	vor.u32 v0, v1  }
0xe5: {  	s11 =	simm.s32 $0x10  }
0xe6: {  	v0 =	vld [tilespmem:s11+$0x16000];
	_ =	sdelay $0x2  }
0xe7: {  	s2 =	sadd.s32 $0x13000, s2;
	[tilespmem:v1+s29+$0x0] =	vst.idx.add.f32.msk $0xffff, v2  }
0xe8: {  	s16 =	simm.s32 $0x10;
	s19 =	simm.s32 $0x40;
	v3 =	vor.u32 $0x80, v1;
	v2 =	vld [tilespmem:s2+$0x80]  }
0xe9: {  	s7 =	sand.u32 $0x70, s16;
	s20 =	simm.s32 $0x20;
	s8 =	sand.u32 $0x1E00, s19;
	v4 =	vshll.u32 v0, $0x2  }
0xea: {  	s7 =	sor.u32 s7, s8;
	v6 =	vld [tilespmem:s20+$0x16000];
	v0 =	vand.u32 $0x7F, v0;
	v4 =	vand.u32 $0xFFFFFE00, v4  }
0xeb: {  	v5 =	vld [tilespmem:s7+$0x13000];
	v0 =	vor.u32 v0, v4;
	_ =	sdelay $0x1  }
0xec: {  	[tilespmem:v3+s29+$0x0] =	vst.idx.add.f32.msk $0xffff, v2  }
0xed: {  	v3 =	vor.u32 $0x100, v1;
	v2 =	vld [tilespmem:s2+$0x100]  }
0xee: {  	s21 =	simm.s32 $0x20;
	v7 =	vshll.u32 v6, $0x2;
	s11 =	simm.s32 $0x80  }
0xef: {  	s8 =	sand.u32 $0x70, s21;
	s7 =	sadd.s32 $0x13000, s7;
	v6 =	vand.u32 $0x7F, v6;
	v7 =	vand.u32 $0xFFFFFE00, v7;
	s11 =	sand.u32 $0x1E00, s11;
	[tilespmem:v0+s29+$0x0] =	vst.idx.add.f32.msk $0xffff, v5  }
0xf0: {  	v7 =	vor.u32 v6, v7;
	s16 =	sor.u32 s8, s11;
	v6 =	vor.u32 $0x80, v0;
	v4 =	vld [tilespmem:s7+$0x80]  }
0xf1: {  	v5 =	vld [tilespmem:s16+$0x13000]  }
0xf2: {  	[tilespmem:v3+s29+$0x0] =	vst.idx.add.f32.msk $0xffff, v2  }
0xf3: {  	s30 =	simm.s32 $0x30;
	v3 =	vor.u32 $0x180, v1;
	v2 =	vld [tilespmem:s2+$0x180]  }
0xf4: {  	s20 =	simm.s32 $0x40;
	v8 =	vld [tilespmem:s30+$0x16000];
	s8 =	simm.s32 $0xC0;
	v1 =	vmov v7;
	s2 =	simm.s32 $0x30  }
.LBB2_7:
0xf5: {  	p1 =	sne.s32 s20, $0x5F0;
	[tilespmem:v6+s29+$0x0] =	vst.idx.add.f32.msk $0xffff, v4  }
0xf6: {  	v10 =	vor.u32 $0x100, v0;
	v9 =	vld [tilespmem:s7+$0x100]  }
0xf7: {  	[tilespmem:v7+s29+$0x0] =	vst.idx.add.f32.msk $0xffff, v5  }
0xf8: {  	s2 =	sand.u32 $0x70, s2;
	s11 =	sand.u32 $0x1E00, s8;
	s21 =	sadd.s32 $0x13000, s16;
	[tilespmem:v3+s29+$0x0] =	vst.idx.add.f32.msk $0xffff, v2  }
.Ltmp4:
0xf9: {  	v6 =	vor.u32 $0x80, v1;
	s16 =	sor.u32 s2, s11;
	s2 =	smov.u32 s20;
	v2 =	vshll.u32 v8, $0x2;
	v4 =	vld [tilespmem:s21+$0x80];
	(pc) =	sbr.rel @p1 .LBB2_7-.Ltmp4, $4  }
0xfa: {  	v3 =	vand.u32 $0x7F, v8;
	v5 =	vld [tilespmem:s16+$0x13000];
	v2 =	vand.u32 $0xFFFFFE00, v2  }
0xfb: {  	s8 =	sadd.s32 $0x40, s8;
	v7 =	vor.u32 v3, v2;
	[tilespmem:v10+s29+$0x0] =	vst.idx.add.f32.msk $0xffff, v9  }
0xfc: {  	s11 =	sshra.s32 s8, $0x2;
	v3 =	vor.u32 $0x180, v0;
	v0 =	vmov v1;
	v2 =	vld [tilespmem:s7+$0x180];
	v1 =	vmov v7;
	s7 =	smov.u32 s21  }
0xfd: {  	s20 =	sadd.s32 $0x10, s20;
	v8 =	vld [tilespmem:s11+$0x16000]  }
0xfe: {  	_ =	sdelay $0x3  }
0xff: {  	s2 =	sand.u32 $0x70, s2;
	s8 =	sand.u32 $0x1E00, s8;
	v9 =	vshll.u32 v8, $0x2  }
0x100: {  	s2 =	sor.u32 s2, s8;
	v8 =	vand.u32 $0x7F, v8;
	v9 =	vand.u32 $0xFFFFFE00, v9  }
0x101: {  	v10 =	vld [tilespmem:s2+$0x13000];
	v8 =	vor.u32 v8, v9  }
0x102: {  	s16 =	sadd.s32 $0x13000, s16;
	[tilespmem:v7+s29+$0x0] =	vst.idx.add.f32.msk $0xffff, v5  }
0x103: {  	v7 =	vor.u32 $0x80, v1;
	v5 =	vld [tilespmem:s16+$0x80];
	_ =	sdelay $0x1  }
0x104: {  	[tilespmem:v6+s29+$0x0] =	vst.idx.add.f32.msk $0xffff, v4  }
0x105: {  	s2 =	sadd.s32 $0x13000, s2;
	[tilespmem:v8+s29+$0x0] =	vst.idx.add.f32.msk $0xffff, v10  }
0x106: {  	v6 =	vor.u32 $0x80, v8;
	v4 =	vld [tilespmem:s2+$0x80]  }
0x107: {  	[tilespmem:v7+s29+$0x0] =	vst.idx.add.f32.msk $0xffff, v5  }
0x108: {  	v7 =	vor.u32 $0x100, v1;
	v5 =	vld [tilespmem:s16+$0x100];
	_ =	sdelay $0x1  }
0x109: {  	v9 =	vld [tilespmem:s7+$0x100];
	v10 =	vor.u32 $0x100, v0  }
0x10a: {  	[tilespmem:v6+s29+$0x0] =	vst.idx.add.f32.msk $0xffff, v4  }
0x10b: {  	v6 =	vor.u32 $0x100, v8;
	v4 =	vld [tilespmem:s2+$0x100]  }
0x10c: {  	[tilespmem:v7+s29+$0x0] =	vst.idx.add.f32.msk $0xffff, v5  }
0x10d: {  	v7 =	vld [tilespmem:s16+$0x180]  }
0x10e: {  	[tilespmem:v10+s29+$0x0] =	vst.idx.add.f32.msk $0xffff, v9  }
0x10f: {  	v1 =	vor.u32 $0x180, v1;
	v5 =	vld [tilespmem:s7+$0x180]  }
0x110: {  	v0 =	vor.u32 $0x180, v0;
	[tilespmem:v6+s29+$0x0] =	vst.idx.add.f32.msk $0xffff, v4  }
0x111: {  	v6 =	vor.u32 $0x180, v8;
	v4 =	vld [tilespmem:s2+$0x180];
	_ =	sdelay $0x1  }
0x112: {  	[tilespmem:v3+s29+$0x0] =	vst.idx.add.f32.msk $0xffff, v2  }
0x113: {  	s19 =	sshll.u32 s12, $0x8;
	[tilespmem:v1+s29+$0x0] =	vst.idx.add.f32.msk $0xffff, v7  }
0x114: {  	s30 =	sor.u32 $0x800, s19;
	[tilespmem:v0+s29+$0x0] =	vst.idx.add.f32.msk $0xffff, v5  }
0x115: {  	s2 =	sadd.s32 s5, s30;
	[tilespmem:v6+s29+$0x0] =	vst.idx.add.f32.msk $0xffff, v4  }
0x116: {  	[hbm4b:s2+s23] =	stream.strided.scatter [tilespmem:s29], [sflag:$0xF], $0x2000, s24, s23, $0x38;
	[tilespmem:$0x16600] =	vst v63  }
0x117: {  	s2 =	simm.s32 @!p0 $0x13  }
0x118: {  	s20 =	sor.u32 $0x18, s12;
	_ =	swait.ge @!p0 [sflag:s2], $0x2000  }
0x119: {  	s16 =	sshll.u32 s20, $0x8;
	s7 =	sshrl.u32 s20, $0x3;
	[sflag:s2] =	ssyncset.done @!p0 $0x0  }
0x11a: {  	s21 =	sadd.s32 s1, s16;
	s7 =	smul.u32 $0x600, s7;
	[sflag:s2] =	ssyncadd.s32 @!p0 $0xFFFFE000  }
0x11b: {  	[tilespmem:s18], [sflag:$0x7] =	stream.strided.gather [hbm4b:s21+s23], $0x2000, s24, s23, $0x38;
	[tilespmem:$0x16600] =	vst v63  }
0x11c: {  	s8 =	rddreg [dreg:$0x1]  }
0x11d: {  	s11 =	simm.s32 $0x13000;
	s12 =	simm.s32 $0x4;
	s2 =	sadd.s32 s8, s7  }
0x11e: {  	[tilespmem:s11], [sflag:$0xB] =	stream.strided.gather [hbm4b:s2+s23], $0x1800, s24, s23, $0x38;
	[tilespmem:$0x16600] =	vst v63  }
0x11f: {  	_ =	swait.ge [sflag:s12], $0x2000  }
0x120: {  	[sflag:s12] =	ssyncset.done $0x0  }
0x121: {  	[sflag:s12] =	ssyncadd.s32 $0xFFFFE000  }
0x122: {  	_ =	swait.ge [sflag:s4], $0x1800  }
0x123: {  	[sflag:s4] =	ssyncset.done $0x0  }
0x124: {  	s19 =	simm.s32 $0x0;
	[sflag:s4] =	ssyncadd.s32 $0xFFFFE800  }
0x125: {  	v0 =	vld [tilespmem:s19+$0x16000];
	_ =	sdelay $0x3  }
0x126: {  	s20 =	simm.s32 $0x0  }
0x127: {  	s21 =	sand.u32 $0x70, s20;
	s2 =	sand.u32 $0x1E00, s20;
	v1 =	vshll.u32 v0, $0x2  }
0x128: {  	s2 =	sor.u32 s21, s2;
	v0 =	vand.u32 $0x7F, v0;
	v1 =	vand.u32 $0xFFFFFE00, v1  }
0x129: {  	v2 =	vld [tilespmem:s2+$0x14800];
	v1 =	vor.u32 v0, v1  }
0x12a: {  	s11 =	simm.s32 $0x10  }
0x12b: {  	v0 =	vld [tilespmem:s11+$0x16000];
	_ =	sdelay $0x2  }
0x12c: {  	s2 =	sadd.s32 $0x14800, s2;
	[tilespmem:v1+s31+$0x0] =	vst.idx.add.f32.msk $0xffff, v2  }
0x12d: {  	s12 =	simm.s32 $0x10;
	s11 =	simm.s32 $0x40;
	v3 =	vor.u32 $0x80, v1;
	v2 =	vld [tilespmem:s2+$0x80]  }
0x12e: {  	s8 =	sand.u32 $0x70, s12;
	s19 =	simm.s32 $0x20;
	s11 =	sand.u32 $0x1E00, s11;
	v4 =	vshll.u32 v0, $0x2  }
0x12f: {  	v6 =	vld [tilespmem:s19+$0x16000];
	s8 =	sor.u32 s8, s11;
	v0 =	vand.u32 $0x7F, v0;
	v4 =	vand.u32 $0xFFFFFE00, v4  }
0x130: {  	v5 =	vld [tilespmem:s8+$0x14800];
	v0 =	vor.u32 v0, v4;
	_ =	sdelay $0x1  }
0x131: {  	[tilespmem:v3+s31+$0x0] =	vst.idx.add.f32.msk $0xffff, v2  }
0x132: {  	v3 =	vor.u32 $0x100, v1;
	v2 =	vld [tilespmem:s2+$0x100]  }
0x133: {  	s20 =	simm.s32 $0x20;
	s21 =	simm.s32 $0x80;
	v7 =	vshll.u32 v6, $0x2  }
0x134: {  	v6 =	vand.u32 $0x7F, v6;
	v7 =	vand.u32 $0xFFFFFE00, v7;
	s11 =	sand.u32 $0x70, s20;
	s20 =	sand.u32 $0x1E00, s21;
	s12 =	sadd.s32 $0x14800, s8;
	[tilespmem:v0+s31+$0x0] =	vst.idx.add.f32.msk $0xffff, v5  }
0x135: {  	v7 =	vor.u32 v6, v7;
	s8 =	sor.u32 s11, s20;
	v6 =	vor.u32 $0x80, v0;
	v4 =	vld [tilespmem:s12+$0x80]  }
0x136: {  	v5 =	vld [tilespmem:s8+$0x14800]  }
0x137: {  	[tilespmem:v3+s31+$0x0] =	vst.idx.add.f32.msk $0xffff, v2  }
0x138: {  	s21 =	simm.s32 $0x30;
	v3 =	vor.u32 $0x180, v1;
	v2 =	vld [tilespmem:s2+$0x180]  }
0x139: {  	s11 =	simm.s32 $0x30;
	s20 =	simm.s32 $0xC0;
	v8 =	vld [tilespmem:s21+$0x16000];
	v1 =	vmov v7;
	s2 =	simm.s32 $0x40  }
.LBB2_9:
0x13a: {  	p1 =	sne.s32 s2, $0x5F0;
	[tilespmem:v6+s31+$0x0] =	vst.idx.add.f32.msk $0xffff, v4  }
0x13b: {  	v10 =	vor.u32 $0x100, v0;
	v9 =	vld [tilespmem:s12+$0x100]  }
0x13c: {  	[tilespmem:v7+s31+$0x0] =	vst.idx.add.f32.msk $0xffff, v5  }
0x13d: {  	s11 =	sand.u32 $0x70, s11;
	s21 =	sand.u32 $0x1E00, s20;
	s19 =	sadd.s32 $0x14800, s8;
	[tilespmem:v3+s31+$0x0] =	vst.idx.add.f32.msk $0xffff, v2  }
.Ltmp5:
0x13e: {  	v6 =	vor.u32 $0x80, v1;
	s8 =	sor.u32 s11, s21;
	s11 =	smov.u32 s2;
	v2 =	vshll.u32 v8, $0x2;
	v4 =	vld [tilespmem:s19+$0x80];
	(pc) =	sbr.rel @p1 .LBB2_9-.Ltmp5, $4  }
0x13f: {  	v3 =	vand.u32 $0x7F, v8;
	v5 =	vld [tilespmem:s8+$0x14800];
	v2 =	vand.u32 $0xFFFFFE00, v2  }
0x140: {  	s20 =	sadd.s32 $0x40, s20;
	v7 =	vor.u32 v3, v2;
	[tilespmem:v10+s31+$0x0] =	vst.idx.add.f32.msk $0xffff, v9  }
0x141: {  	s21 =	sshra.s32 s20, $0x2;
	v3 =	vor.u32 $0x180, v0;
	v0 =	vmov v1;
	v2 =	vld [tilespmem:s12+$0x180];
	v1 =	vmov v7;
	s12 =	smov.u32 s19  }
0x142: {  	s2 =	sadd.s32 $0x10, s2;
	v8 =	vld [tilespmem:s21+$0x16000]  }
0x143: {  	_ =	sdelay $0x3  }
0x144: {  	s2 =	sand.u32 $0x70, s11;
	s21 =	sand.u32 $0x1E00, s20;
	v9 =	vshll.u32 v8, $0x2  }
0x145: {  	s2 =	sor.u32 s2, s21;
	v8 =	vand.u32 $0x7F, v8;
	v9 =	vand.u32 $0xFFFFFE00, v9  }
0x146: {  	v10 =	vld [tilespmem:s2+$0x14800];
	v8 =	vor.u32 v8, v9  }
0x147: {  	s8 =	sadd.s32 $0x14800, s8;
	[tilespmem:v7+s31+$0x0] =	vst.idx.add.f32.msk $0xffff, v5  }
0x148: {  	v7 =	vor.u32 $0x80, v1;
	v5 =	vld [tilespmem:s8+$0x80];
	_ =	sdelay $0x1  }
0x149: {  	[tilespmem:v6+s31+$0x0] =	vst.idx.add.f32.msk $0xffff, v4  }
0x14a: {  	s2 =	sadd.s32 $0x14800, s2;
	[tilespmem:v8+s31+$0x0] =	vst.idx.add.f32.msk $0xffff, v10  }
0x14b: {  	v6 =	vor.u32 $0x80, v8;
	v4 =	vld [tilespmem:s2+$0x80]  }
0x14c: {  	[tilespmem:v7+s31+$0x0] =	vst.idx.add.f32.msk $0xffff, v5  }
0x14d: {  	v7 =	vor.u32 $0x100, v1;
	v5 =	vld [tilespmem:s8+$0x100];
	_ =	sdelay $0x1  }
0x14e: {  	v9 =	vld [tilespmem:s12+$0x100];
	v10 =	vor.u32 $0x100, v0  }
0x14f: {  	[tilespmem:v6+s31+$0x0] =	vst.idx.add.f32.msk $0xffff, v4  }
0x150: {  	v6 =	vor.u32 $0x100, v8;
	v4 =	vld [tilespmem:s2+$0x100]  }
0x151: {  	[tilespmem:v7+s31+$0x0] =	vst.idx.add.f32.msk $0xffff, v5  }
0x152: {  	v7 =	vld [tilespmem:s8+$0x180]  }
0x153: {  	[tilespmem:v10+s31+$0x0] =	vst.idx.add.f32.msk $0xffff, v9  }
0x154: {  	v1 =	vor.u32 $0x180, v1;
	v5 =	vld [tilespmem:s12+$0x180]  }
0x155: {  	v0 =	vor.u32 $0x180, v0;
	[tilespmem:v6+s31+$0x0] =	vst.idx.add.f32.msk $0xffff, v4  }
0x156: {  	v6 =	vor.u32 $0x180, v8;
	v4 =	vld [tilespmem:s2+$0x180];
	_ =	sdelay $0x1  }
0x157: {  	[tilespmem:v3+s31+$0x0] =	vst.idx.add.f32.msk $0xffff, v2  }
0x158: {  	[tilespmem:v1+s31+$0x0] =	vst.idx.add.f32.msk $0xffff, v7  }
0x159: {  	[tilespmem:v0+s31+$0x0] =	vst.idx.add.f32.msk $0xffff, v5  }
0x15a: {  	[tilespmem:v6+s31+$0x0] =	vst.idx.add.f32.msk $0xffff, v4  }
0x15b: {  	s8 =	rddreg [dreg:$0x10]  }
0x15c: {  	s2 =	sadd.s32 s30, s8  }
0x15d: {  	[hbm4b:s2+s23] =	stream.strided.scatter [tilespmem:s31], [sflag:$0x10], $0x2000, s24, s23, $0x38;
	[tilespmem:$0x16600] =	vst v63  }
0x15e: {  	s2 =	simm.s32 @!p0 $0x14  }
0x15f: {  	_ =	swait.ge @!p0 [sflag:s2], $0x2000  }
0x160: {  	s12 =	sor.u32 $0x40, s16;
	[sflag:s2] =	ssyncset.done @!p0 $0x0  }
0x161: {  	s11 =	sadd.s32 s1, s12;
	[sflag:s2] =	ssyncadd.s32 @!p0 $0xFFFFE000  }
0x162: {  	[tilespmem:s25], [sflag:$0x8] =	stream.strided.gather [hbm4b:s11+s23], $0x2000, s24, s23, $0x38;
	[tilespmem:$0x16600] =	vst v63  }
0x163: {  	s19 =	sadd.s32 s7, s13;
	s20 =	simm.s32 $0x14800;
	s21 =	simm.s32 $0x5  }
0x164: {  	[tilespmem:s20], [sflag:$0xC] =	stream.strided.gather [hbm4b:s19+s23], $0x1800, s24, s23, $0x38;
	[tilespmem:$0x16600] =	vst v63  }
0x165: {  	_ =	swait.ge [sflag:s21], $0x2000  }
0x166: {  	[sflag:s21] =	ssyncset.done $0x0  }
0x167: {  	[sflag:s21] =	ssyncadd.s32 $0xFFFFE000  }
0x168: {  	_ =	swait.ge [sflag:s9], $0x1800  }
0x169: {  	[sflag:s9] =	ssyncset.done $0x0  }
0x16a: {  	s7 =	simm.s32 $0x0;
	[sflag:s9] =	ssyncadd.s32 $0xFFFFE800  }
0x16b: {  	v0 =	vld [tilespmem:s7+$0x16000];
	_ =	sdelay $0x3  }
0x16c: {  	s8 =	simm.s32 $0x0  }
0x16d: {  	s2 =	sand.u32 $0x1E00, s8;
	s11 =	sand.u32 $0x70, s8;
	v1 =	vshll.u32 v0, $0x2  }
0x16e: {  	s2 =	sor.u32 s11, s2;
	v0 =	vand.u32 $0x7F, v0;
	v1 =	vand.u32 $0xFFFFFE00, v1  }
0x16f: {  	v2 =	vld [tilespmem:s2+$0x10000];
	v1 =	vor.u32 v0, v1  }
0x170: {  	s19 =	simm.s32 $0x10  }
0x171: {  	v0 =	vld [tilespmem:s19+$0x16000];
	_ =	sdelay $0x2  }
0x172: {  	[tilespmem:v1+s10+$0x0] =	vst.idx.add.f32.msk $0xffff, v2  }
0x173: {  	s20 =	simm.s32 $0x10;
	s21 =	simm.s32 $0x40;
	v3 =	vor.u32 $0x80, v1;
	v2 =	vld [tilespmem:s2+$0x10080]  }
0x174: {  	s11 =	simm.s32 $0x20;
	s8 =	sand.u32 $0x1E00, s21;
	s7 =	sand.u32 $0x70, s20;
	v4 =	vshll.u32 v0, $0x2  }
0x175: {  	v6 =	vld [tilespmem:s11+$0x16000];
	s7 =	sor.u32 s7, s8;
	v0 =	vand.u32 $0x7F, v0;
	v4 =	vand.u32 $0xFFFFFE00, v4  }
0x176: {  	v5 =	vld [tilespmem:s7+$0x10000];
	v0 =	vor.u32 v0, v4;
	_ =	sdelay $0x1  }
0x177: {  	[tilespmem:v3+s10+$0x0] =	vst.idx.add.f32.msk $0xffff, v2  }
0x178: {  	v3 =	vor.u32 $0x100, v1;
	v2 =	vld [tilespmem:s2+$0x10100]  }
0x179: {  	s20 =	simm.s32 $0x80;
	v7 =	vshll.u32 v6, $0x2;
	s19 =	simm.s32 $0x20  }
0x17a: {  	s11 =	sand.u32 $0x1E00, s20;
	v6 =	vand.u32 $0x7F, v6;
	v7 =	vand.u32 $0xFFFFFE00, v7;
	s8 =	sand.u32 $0x70, s19;
	[tilespmem:v0+s10+$0x0] =	vst.idx.add.f32.msk $0xffff, v5  }
0x17b: {  	v7 =	vor.u32 v6, v7;
	s30 =	sor.u32 s8, s11;
	v6 =	vor.u32 $0x80, v0;
	v4 =	vld [tilespmem:s7+$0x10080]  }
0x17c: {  	v5 =	vld [tilespmem:s30+$0x10000]  }
0x17d: {  	[tilespmem:v3+s10+$0x0] =	vst.idx.add.f32.msk $0xffff, v2  }
0x17e: {  	s21 =	simm.s32 $0x30;
	v3 =	vor.u32 $0x180, v1;
	v2 =	vld [tilespmem:s2+$0x10180]  }
0x17f: {  	v8 =	vld [tilespmem:s21+$0x16000];
	s20 =	simm.s32 $0x30;
	s8 =	simm.s32 $0xC0;
	v1 =	vmov v7;
	s2 =	simm.s32 $0x40  }
.LBB2_11:
0x180: {  	p0 =	sne.s32 s2, $0x5F0;
	[tilespmem:v6+s10+$0x0] =	vst.idx.add.f32.msk $0xffff, v4  }
0x181: {  	v10 =	vor.u32 $0x100, v0;
	v9 =	vld [tilespmem:s7+$0x10100]  }
0x182: {  	[tilespmem:v7+s10+$0x0] =	vst.idx.add.f32.msk $0xffff, v5  }
0x183: {  	s11 =	sand.u32 $0x70, s20;
	s19 =	sand.u32 $0x1E00, s8;
	s20 =	smov.u32 s2;
	[tilespmem:v3+s10+$0x0] =	vst.idx.add.f32.msk $0xffff, v2  }
.Ltmp6:
0x184: {  	v6 =	vor.u32 $0x80, v1;
	s11 =	sor.u32 s11, s19;
	v2 =	vshll.u32 v8, $0x2;
	v4 =	vld [tilespmem:s30+$0x10080];
	(pc) =	sbr.rel @p0 .LBB2_11-.Ltmp6, $4  }
0x185: {  	v3 =	vand.u32 $0x7F, v8;
	v5 =	vld [tilespmem:s11+$0x10000];
	v2 =	vand.u32 $0xFFFFFE00, v2  }
0x186: {  	s8 =	sadd.s32 $0x40, s8;
	v7 =	vor.u32 v3, v2;
	[tilespmem:v10+s10+$0x0] =	vst.idx.add.f32.msk $0xffff, v9  }
0x187: {  	s19 =	sshra.s32 s8, $0x2;
	v3 =	vor.u32 $0x180, v0;
	v0 =	vmov v1;
	v2 =	vld [tilespmem:s7+$0x10180];
	v1 =	vmov v7;
	s7 =	smov.u32 s30;
	s30 =	smov.u32 s11  }
0x188: {  	s2 =	sadd.s32 $0x10, s2;
	v8 =	vld [tilespmem:s19+$0x16000]  }
0x189: {  	_ =	sdelay $0x3  }
0x18a: {  	s2 =	sand.u32 $0x70, s20;
	s8 =	sand.u32 $0x1E00, s8;
	v9 =	vshll.u32 v8, $0x2  }
0x18b: {  	s2 =	sor.u32 s2, s8;
	v8 =	vand.u32 $0x7F, v8;
	v9 =	vand.u32 $0xFFFFFE00, v9  }
0x18c: {  	v10 =	vld [tilespmem:s2+$0x10000];
	v8 =	vor.u32 v8, v9  }
0x18d: {  	[tilespmem:v7+s10+$0x0] =	vst.idx.add.f32.msk $0xffff, v5  }
0x18e: {  	v7 =	vor.u32 $0x80, v1;
	v5 =	vld [tilespmem:s30+$0x10080];
	_ =	sdelay $0x1  }
0x18f: {  	[tilespmem:v6+s10+$0x0] =	vst.idx.add.f32.msk $0xffff, v4  }
0x190: {  	[tilespmem:v8+s10+$0x0] =	vst.idx.add.f32.msk $0xffff, v10  }
0x191: {  	v6 =	vor.u32 $0x80, v8;
	v4 =	vld [tilespmem:s2+$0x10080]  }
0x192: {  	[tilespmem:v7+s10+$0x0] =	vst.idx.add.f32.msk $0xffff, v5  }
0x193: {  	v7 =	vor.u32 $0x100, v1;
	v5 =	vld [tilespmem:s30+$0x10100];
	_ =	sdelay $0x1  }
0x194: {  	v9 =	vld [tilespmem:s7+$0x10100];
	v10 =	vor.u32 $0x100, v0  }
0x195: {  	[tilespmem:v6+s10+$0x0] =	vst.idx.add.f32.msk $0xffff, v4  }
0x196: {  	v6 =	vor.u32 $0x100, v8;
	v4 =	vld [tilespmem:s2+$0x10100]  }
0x197: {  	[tilespmem:v7+s10+$0x0] =	vst.idx.add.f32.msk $0xffff, v5  }
0x198: {  	v7 =	vld [tilespmem:s30+$0x10180]  }
0x199: {  	[tilespmem:v10+s10+$0x0] =	vst.idx.add.f32.msk $0xffff, v9  }
0x19a: {  	v1 =	vor.u32 $0x180, v1;
	v5 =	vld [tilespmem:s7+$0x10180]  }
0x19b: {  	v0 =	vor.u32 $0x180, v0;
	[tilespmem:v6+s10+$0x0] =	vst.idx.add.f32.msk $0xffff, v4  }
0x19c: {  	v6 =	vor.u32 $0x180, v8;
	v4 =	vld [tilespmem:s2+$0x10180];
	_ =	sdelay $0x1  }
0x19d: {  	[tilespmem:v3+s10+$0x0] =	vst.idx.add.f32.msk $0xffff, v2  }
0x19e: {  	[tilespmem:v1+s10+$0x0] =	vst.idx.add.f32.msk $0xffff, v7  }
0x19f: {  	p0 =	seq.s32 s0, $0x7;
	[tilespmem:v0+s10+$0x0] =	vst.idx.add.f32.msk $0xffff, v5  }
0x1a0: {  	s20 =	sadd.s32 s5, s28;
	s2 =	simm.s32 @!p0 $0xD;
	[tilespmem:v6+s10+$0x0] =	vst.idx.add.f32.msk $0xffff, v4  }
0x1a1: {  	[hbm4b:s20+s23] =	stream.strided.scatter [tilespmem:s10], [sflag:$0x11], $0x2000, s24, s23, $0x38;
	[tilespmem:$0x16600] =	vst v63  }
0x1a2: {  	_ =	swait.ge @!p0 [sflag:s2], $0x2000  }
0x1a3: {  	s8 =	simm.s32 @!p0 $0x200;
	s7 =	rddreg [dreg:$0x11]  }
0x1a4: {  	s11 =	simm.s32 @!p0 $0x400;
	s19 =	simm.s32 @!p0 $0x0;
	s7 =	sadd.s32 @!p0 s3, s7  }
0x1a5: {  	[sflag:s2] =	ssyncset.done @!p0 $0x0;
	s30 =	sshll.u32 @!p0 s7, $0x8;
	s7 =	sshrl.u32 @!p0 s7, $0x3  }
0x1a6: {  	[sflag:s2] =	ssyncadd.s32 @!p0 $0xFFFFE000;
	s2 =	sadd.s32 @!p0 s1, s30;
	s28 =	smul.u32 @!p0 $0x600, s7  }
0x1a7: {  	[tilespmem:s19], [sflag:$0x1] =	stream.strided.gather @!p0 [hbm4b:s2+s8], $0x2000, s11, s8, $0x38;
	[tilespmem:$0x16600] =	vst v63  }
0x1a8: {  	s2 =	rddreg [dreg:$0x1]  }
0x1a9: {  	s21 =	simm.s32 $0x6;
	s7 =	simm.s32 @!p0 $0x10000;
	s2 =	sadd.s32 @!p0 s2, s28  }
0x1aa: {  	[tilespmem:s7], [sflag:$0x9] =	stream.strided.gather @!p0 [hbm4b:s2+s8], $0x1800, s11, s8, $0x38;
	[tilespmem:$0x16600] =	vst v63  }
0x1ab: {  	_ =	swait.ge [sflag:s21], $0x2000  }
0x1ac: {  	[sflag:s21] =	ssyncset.done $0x0  }
0x1ad: {  	[sflag:s21] =	ssyncadd.s32 $0xFFFFE000  }
0x1ae: {  	_ =	swait.ge [sflag:s14], $0x1800  }
0x1af: {  	[sflag:s14] =	ssyncset.done $0x0  }
0x1b0: {  	s7 =	simm.s32 $0x0;
	[sflag:s14] =	ssyncadd.s32 $0xFFFFE800  }
0x1b1: {  	v0 =	vld [tilespmem:s7+$0x16000];
	_ =	sdelay $0x3  }
0x1b2: {  	s8 =	simm.s32 $0x0  }
0x1b3: {  	s11 =	sand.u32 $0x70, s8;
	s2 =	sand.u32 $0x1E00, s8;
	v1 =	vshll.u32 v0, $0x2  }
0x1b4: {  	s2 =	sor.u32 s11, s2;
	v0 =	vand.u32 $0x7F, v0;
	v1 =	vand.u32 $0xFFFFFE00, v1  }
0x1b5: {  	v2 =	vld [tilespmem:s2+$0x11800];
	v1 =	vor.u32 v0, v1  }
0x1b6: {  	s19 =	simm.s32 $0x10  }
0x1b7: {  	v0 =	vld [tilespmem:s19+$0x16000];
	_ =	sdelay $0x2  }
0x1b8: {  	s2 =	sadd.s32 $0x11800, s2;
	[tilespmem:v1+s15+$0x0] =	vst.idx.add.f32.msk $0xffff, v2  }
0x1b9: {  	s20 =	simm.s32 $0x10;
	s21 =	simm.s32 $0x40;
	v3 =	vor.u32 $0x80, v1;
	v2 =	vld [tilespmem:s2+$0x80]  }
0x1ba: {  	s11 =	simm.s32 $0x20;
	s8 =	sand.u32 $0x1E00, s21;
	s7 =	sand.u32 $0x70, s20;
	v4 =	vshll.u32 v0, $0x2  }
0x1bb: {  	v6 =	vld [tilespmem:s11+$0x16000];
	s7 =	sor.u32 s7, s8;
	v0 =	vand.u32 $0x7F, v0;
	v4 =	vand.u32 $0xFFFFFE00, v4  }
0x1bc: {  	v5 =	vld [tilespmem:s7+$0x11800];
	v0 =	vor.u32 v0, v4;
	_ =	sdelay $0x1  }
0x1bd: {  	[tilespmem:v3+s15+$0x0] =	vst.idx.add.f32.msk $0xffff, v2  }
0x1be: {  	v3 =	vor.u32 $0x100, v1;
	v2 =	vld [tilespmem:s2+$0x100]  }
0x1bf: {  	s20 =	simm.s32 $0x80;
	v7 =	vshll.u32 v6, $0x2;
	s19 =	simm.s32 $0x20  }
0x1c0: {  	s11 =	sand.u32 $0x1E00, s20;
	s7 =	sadd.s32 $0x11800, s7;
	v6 =	vand.u32 $0x7F, v6;
	v7 =	vand.u32 $0xFFFFFE00, v7;
	s8 =	sand.u32 $0x70, s19;
	[tilespmem:v0+s15+$0x0] =	vst.idx.add.f32.msk $0xffff, v5  }
0x1c1: {  	v7 =	vor.u32 v6, v7;
	s8 =	sor.u32 s8, s11;
	v6 =	vor.u32 $0x80, v0;
	v4 =	vld [tilespmem:s7+$0x80]  }
0x1c2: {  	v5 =	vld [tilespmem:s8+$0x11800]  }
0x1c3: {  	[tilespmem:v3+s15+$0x0] =	vst.idx.add.f32.msk $0xffff, v2  }
0x1c4: {  	s21 =	simm.s32 $0x30;
	v3 =	vor.u32 $0x180, v1;
	v2 =	vld [tilespmem:s2+$0x180]  }
0x1c5: {  	v8 =	vld [tilespmem:s21+$0x16000];
	s20 =	simm.s32 $0xC0;
	s11 =	simm.s32 $0x30;
	v1 =	vmov v7;
	s2 =	simm.s32 $0x40  }
.LBB2_13:
0x1c6: {  	p1 =	sne.s32 s2, $0x5F0;
	[tilespmem:v6+s15+$0x0] =	vst.idx.add.f32.msk $0xffff, v4  }
0x1c7: {  	v10 =	vor.u32 $0x100, v0;
	v9 =	vld [tilespmem:s7+$0x100]  }
0x1c8: {  	[tilespmem:v7+s15+$0x0] =	vst.idx.add.f32.msk $0xffff, v5  }
0x1c9: {  	s11 =	sand.u32 $0x70, s11;
	s19 =	sand.u32 $0x1E00, s20;
	s21 =	sadd.s32 $0x11800, s8;
	[tilespmem:v3+s15+$0x0] =	vst.idx.add.f32.msk $0xffff, v2  }
.Ltmp7:
0x1ca: {  	v6 =	vor.u32 $0x80, v1;
	s8 =	sor.u32 s11, s19;
	s11 =	smov.u32 s2;
	v2 =	vshll.u32 v8, $0x2;
	v4 =	vld [tilespmem:s21+$0x80];
	(pc) =	sbr.rel @p1 .LBB2_13-.Ltmp7, $4  }
0x1cb: {  	v3 =	vand.u32 $0x7F, v8;
	v5 =	vld [tilespmem:s8+$0x11800];
	v2 =	vand.u32 $0xFFFFFE00, v2  }
0x1cc: {  	s20 =	sadd.s32 $0x40, s20;
	v7 =	vor.u32 v3, v2;
	[tilespmem:v10+s15+$0x0] =	vst.idx.add.f32.msk $0xffff, v9  }
0x1cd: {  	s19 =	sshra.s32 s20, $0x2;
	v3 =	vor.u32 $0x180, v0;
	v0 =	vmov v1;
	v2 =	vld [tilespmem:s7+$0x180];
	v1 =	vmov v7;
	s7 =	smov.u32 s21  }
0x1ce: {  	s2 =	sadd.s32 $0x10, s2;
	v8 =	vld [tilespmem:s19+$0x16000]  }
0x1cf: {  	_ =	sdelay $0x3  }
0x1d0: {  	s2 =	sand.u32 $0x70, s11;
	s21 =	sand.u32 $0x1E00, s20;
	v9 =	vshll.u32 v8, $0x2  }
0x1d1: {  	s2 =	sor.u32 s2, s21;
	v8 =	vand.u32 $0x7F, v8;
	v9 =	vand.u32 $0xFFFFFE00, v9  }
0x1d2: {  	v10 =	vld [tilespmem:s2+$0x11800];
	v8 =	vor.u32 v8, v9  }
0x1d3: {  	s8 =	sadd.s32 $0x11800, s8;
	[tilespmem:v7+s15+$0x0] =	vst.idx.add.f32.msk $0xffff, v5  }
0x1d4: {  	v7 =	vor.u32 $0x80, v1;
	v5 =	vld [tilespmem:s8+$0x80];
	_ =	sdelay $0x1  }
0x1d5: {  	[tilespmem:v6+s15+$0x0] =	vst.idx.add.f32.msk $0xffff, v4  }
0x1d6: {  	s2 =	sadd.s32 $0x11800, s2;
	[tilespmem:v8+s15+$0x0] =	vst.idx.add.f32.msk $0xffff, v10  }
0x1d7: {  	v6 =	vor.u32 $0x80, v8;
	v4 =	vld [tilespmem:s2+$0x80]  }
0x1d8: {  	[tilespmem:v7+s15+$0x0] =	vst.idx.add.f32.msk $0xffff, v5  }
0x1d9: {  	v7 =	vor.u32 $0x100, v1;
	v5 =	vld [tilespmem:s8+$0x100];
	_ =	sdelay $0x1  }
0x1da: {  	v9 =	vld [tilespmem:s7+$0x100];
	v10 =	vor.u32 $0x100, v0  }
0x1db: {  	[tilespmem:v6+s15+$0x0] =	vst.idx.add.f32.msk $0xffff, v4  }
0x1dc: {  	v6 =	vor.u32 $0x100, v8;
	v4 =	vld [tilespmem:s2+$0x100]  }
0x1dd: {  	[tilespmem:v7+s15+$0x0] =	vst.idx.add.f32.msk $0xffff, v5  }
0x1de: {  	v7 =	vld [tilespmem:s8+$0x180]  }
0x1df: {  	[tilespmem:v10+s15+$0x0] =	vst.idx.add.f32.msk $0xffff, v9  }
0x1e0: {  	v1 =	vor.u32 $0x180, v1;
	v5 =	vld [tilespmem:s7+$0x180]  }
0x1e1: {  	v0 =	vor.u32 $0x180, v0;
	[tilespmem:v6+s15+$0x0] =	vst.idx.add.f32.msk $0xffff, v4  }
0x1e2: {  	v6 =	vor.u32 $0x180, v8;
	v4 =	vld [tilespmem:s2+$0x180];
	_ =	sdelay $0x1  }
0x1e3: {  	[tilespmem:v3+s15+$0x0] =	vst.idx.add.f32.msk $0xffff, v2  }
0x1e4: {  	[tilespmem:v1+s15+$0x0] =	vst.idx.add.f32.msk $0xffff, v7  }
0x1e5: {  	[tilespmem:v0+s15+$0x0] =	vst.idx.add.f32.msk $0xffff, v5  }
0x1e6: {  	s22 =	sadd.s32 s5, s22;
	s2 =	simm.s32 @!p0 $0xE;
	[tilespmem:v6+s15+$0x0] =	vst.idx.add.f32.msk $0xffff, v4  }
0x1e7: {  	[hbm4b:s22+s23] =	stream.strided.scatter [tilespmem:s15], [sflag:$0x12], $0x2000, s24, s23, $0x38;
	[tilespmem:$0x16600] =	vst v63  }
0x1e8: {  	_ =	swait.ge @!p0 [sflag:s2], $0x2000  }
0x1e9: {  	s11 =	simm.s32 @!p0 $0x2000;
	[sflag:s2] =	ssyncset.done @!p0 $0x0  }
0x1ea: {  	s7 =	sand.u32 @!p0 $0x1FFFE000, s30;
	[sflag:s2] =	ssyncadd.s32 @!p0 $0xFFFFE000;
	s2 =	rddreg [dreg:$0x9]  }
0x1eb: {  	s8 =	simm.s32 @!p0 $0x400;
	s2 =	sadd.s32 @!p0 s7, s2;
	s7 =	simm.s32 @!p0 $0x200  }
0x1ec: {  	[tilespmem:s11], [sflag:$0x2] =	stream.strided.gather @!p0 [hbm4b:s2+s7], $0x2000, s8, s7, $0x38;
	[tilespmem:$0x16600] =	vst v63  }
0x1ed: {  	s30 =	simm.s32 $0x7;
	s2 =	sadd.s32 @!p0 s28, s13;
	s11 =	simm.s32 @!p0 $0x11800  }
0x1ee: {  	[tilespmem:s11], [sflag:$0xA] =	stream.strided.gather @!p0 [hbm4b:s2+s7], $0x1800, s8, s7, $0x38;
	[tilespmem:$0x16600] =	vst v63  }
0x1ef: {  	_ =	swait.ge [sflag:s30], $0x2000  }
0x1f0: {  	[sflag:s30] =	ssyncset.done $0x0  }
0x1f1: {  	[sflag:s30] =	ssyncadd.s32 $0xFFFFE000  }
0x1f2: {  	_ =	swait.ge [sflag:s17], $0x1800  }
0x1f3: {  	[sflag:s17] =	ssyncset.done $0x0  }
0x1f4: {  	s7 =	simm.s32 $0x0;
	[sflag:s17] =	ssyncadd.s32 $0xFFFFE800  }
0x1f5: {  	v0 =	vld [tilespmem:s7+$0x16000];
	_ =	sdelay $0x3  }
0x1f6: {  	s8 =	simm.s32 $0x0  }
0x1f7: {  	s11 =	sand.u32 $0x70, s8;
	s2 =	sand.u32 $0x1E00, s8;
	v1 =	vshll.u32 v0, $0x2  }
0x1f8: {  	s2 =	sor.u32 s11, s2;
	v0 =	vand.u32 $0x7F, v0;
	v1 =	vand.u32 $0xFFFFFE00, v1  }
0x1f9: {  	v2 =	vld [tilespmem:s2+$0x13000];
	v1 =	vor.u32 v0, v1  }
0x1fa: {  	s19 =	simm.s32 $0x10  }
0x1fb: {  	v0 =	vld [tilespmem:s19+$0x16000];
	_ =	sdelay $0x2  }
0x1fc: {  	s2 =	sadd.s32 $0x13000, s2;
	[tilespmem:v1+s18+$0x0] =	vst.idx.add.f32.msk $0xffff, v2  }
0x1fd: {  	s20 =	simm.s32 $0x10;
	s21 =	simm.s32 $0x40;
	v3 =	vor.u32 $0x80, v1;
	v2 =	vld [tilespmem:s2+$0x80]  }
0x1fe: {  	s22 =	simm.s32 $0x20;
	s8 =	sand.u32 $0x1E00, s21;
	s7 =	sand.u32 $0x70, s20;
	v4 =	vshll.u32 v0, $0x2  }
0x1ff: {  	v6 =	vld [tilespmem:s22+$0x16000];
	s7 =	sor.u32 s7, s8;
	v0 =	vand.u32 $0x7F, v0;
	v4 =	vand.u32 $0xFFFFFE00, v4  }
0x200: {  	v5 =	vld [tilespmem:s7+$0x13000];
	v0 =	vor.u32 v0, v4;
	_ =	sdelay $0x1  }
0x201: {  	[tilespmem:v3+s18+$0x0] =	vst.idx.add.f32.msk $0xffff, v2  }
0x202: {  	v3 =	vor.u32 $0x100, v1;
	v2 =	vld [tilespmem:s2+$0x100]  }
0x203: {  	s28 =	simm.s32 $0x20;
	s30 =	simm.s32 $0x80;
	v7 =	vshll.u32 v6, $0x2  }
0x204: {  	s11 =	sand.u32 $0x1E00, s30;
	s8 =	sand.u32 $0x70, s28;
	s7 =	sadd.s32 $0x13000, s7;
	v6 =	vand.u32 $0x7F, v6;
	v7 =	vand.u32 $0xFFFFFE00, v7;
	[tilespmem:v0+s18+$0x0] =	vst.idx.add.f32.msk $0xffff, v5  }
0x205: {  	s8 =	sor.u32 s8, s11;
	v7 =	vor.u32 v6, v7;
	v6 =	vor.u32 $0x80, v0;
	v4 =	vld [tilespmem:s7+$0x80]  }
0x206: {  	v5 =	vld [tilespmem:s8+$0x13000]  }
0x207: {  	[tilespmem:v3+s18+$0x0] =	vst.idx.add.f32.msk $0xffff, v2  }
0x208: {  	s19 =	simm.s32 $0x30;
	v3 =	vor.u32 $0x180, v1;
	v2 =	vld [tilespmem:s2+$0x180]  }
0x209: {  	s20 =	simm.s32 $0xC0;
	s11 =	simm.s32 $0x30;
	v8 =	vld [tilespmem:s19+$0x16000];
	v1 =	vmov v7;
	s2 =	simm.s32 $0x40  }
.LBB2_15:
0x20a: {  	p1 =	sne.s32 s2, $0x5F0;
	[tilespmem:v6+s18+$0x0] =	vst.idx.add.f32.msk $0xffff, v4  }
0x20b: {  	v10 =	vor.u32 $0x100, v0;
	v9 =	vld [tilespmem:s7+$0x100]  }
0x20c: {  	[tilespmem:v7+s18+$0x0] =	vst.idx.add.f32.msk $0xffff, v5  }
0x20d: {  	s11 =	sand.u32 $0x70, s11;
	s19 =	sand.u32 $0x1E00, s20;
	s21 =	sadd.s32 $0x13000, s8;
	[tilespmem:v3+s18+$0x0] =	vst.idx.add.f32.msk $0xffff, v2  }
.Ltmp8:
0x20e: {  	v6 =	vor.u32 $0x80, v1;
	s8 =	sor.u32 s11, s19;
	s11 =	smov.u32 s2;
	v2 =	vshll.u32 v8, $0x2;
	v4 =	vld [tilespmem:s21+$0x80];
	(pc) =	sbr.rel @p1 .LBB2_15-.Ltmp8, $4  }
0x20f: {  	v3 =	vand.u32 $0x7F, v8;
	v5 =	vld [tilespmem:s8+$0x13000];
	v2 =	vand.u32 $0xFFFFFE00, v2  }
0x210: {  	s20 =	sadd.s32 $0x40, s20;
	v7 =	vor.u32 v3, v2;
	[tilespmem:v10+s18+$0x0] =	vst.idx.add.f32.msk $0xffff, v9  }
0x211: {  	s19 =	sshra.s32 s20, $0x2;
	v3 =	vor.u32 $0x180, v0;
	v0 =	vmov v1;
	v2 =	vld [tilespmem:s7+$0x180];
	v1 =	vmov v7;
	s7 =	smov.u32 s21  }
0x212: {  	s2 =	sadd.s32 $0x10, s2;
	v8 =	vld [tilespmem:s19+$0x16000]  }
0x213: {  	_ =	sdelay $0x3  }
0x214: {  	s2 =	sand.u32 $0x70, s11;
	s28 =	sand.u32 $0x1E00, s20;
	v9 =	vshll.u32 v8, $0x2  }
0x215: {  	s2 =	sor.u32 s2, s28;
	v8 =	vand.u32 $0x7F, v8;
	v9 =	vand.u32 $0xFFFFFE00, v9  }
0x216: {  	v10 =	vld [tilespmem:s2+$0x13000];
	v8 =	vor.u32 v8, v9  }
0x217: {  	s8 =	sadd.s32 $0x13000, s8;
	[tilespmem:v7+s18+$0x0] =	vst.idx.add.f32.msk $0xffff, v5  }
0x218: {  	v7 =	vor.u32 $0x80, v1;
	v5 =	vld [tilespmem:s8+$0x80];
	_ =	sdelay $0x1  }
0x219: {  	[tilespmem:v6+s18+$0x0] =	vst.idx.add.f32.msk $0xffff, v4  }
0x21a: {  	s2 =	sadd.s32 $0x13000, s2;
	[tilespmem:v8+s18+$0x0] =	vst.idx.add.f32.msk $0xffff, v10  }
0x21b: {  	v6 =	vor.u32 $0x80, v8;
	v4 =	vld [tilespmem:s2+$0x80]  }
0x21c: {  	[tilespmem:v7+s18+$0x0] =	vst.idx.add.f32.msk $0xffff, v5  }
0x21d: {  	v7 =	vor.u32 $0x100, v1;
	v5 =	vld [tilespmem:s8+$0x100];
	_ =	sdelay $0x1  }
0x21e: {  	v9 =	vld [tilespmem:s7+$0x100];
	v10 =	vor.u32 $0x100, v0  }
0x21f: {  	[tilespmem:v6+s18+$0x0] =	vst.idx.add.f32.msk $0xffff, v4  }
0x220: {  	v6 =	vor.u32 $0x100, v8;
	v4 =	vld [tilespmem:s2+$0x100]  }
0x221: {  	[tilespmem:v7+s18+$0x0] =	vst.idx.add.f32.msk $0xffff, v5  }
0x222: {  	v7 =	vld [tilespmem:s8+$0x180]  }
0x223: {  	[tilespmem:v10+s18+$0x0] =	vst.idx.add.f32.msk $0xffff, v9  }
0x224: {  	v1 =	vor.u32 $0x180, v1;
	v5 =	vld [tilespmem:s7+$0x180]  }
0x225: {  	v0 =	vor.u32 $0x180, v0;
	[tilespmem:v6+s18+$0x0] =	vst.idx.add.f32.msk $0xffff, v4  }
0x226: {  	v6 =	vor.u32 $0x180, v8;
	v4 =	vld [tilespmem:s2+$0x180];
	_ =	sdelay $0x1  }
0x227: {  	[tilespmem:v3+s18+$0x0] =	vst.idx.add.f32.msk $0xffff, v2  }
0x228: {  	[tilespmem:v1+s18+$0x0] =	vst.idx.add.f32.msk $0xffff, v7  }
0x229: {  	[tilespmem:v0+s18+$0x0] =	vst.idx.add.f32.msk $0xffff, v5  }
0x22a: {  	s30 =	sadd.s32 s5, s16;
	s2 =	simm.s32 @!p0 $0xF;
	[tilespmem:v6+s18+$0x0] =	vst.idx.add.f32.msk $0xffff, v4  }
0x22b: {  	[hbm4b:s30+s23] =	stream.strided.scatter [tilespmem:s18], [sflag:$0x13], $0x2000, s24, s23, $0x38;
	[tilespmem:$0x16600] =	vst v63  }
0x22c: {  	_ =	swait.ge @!p0 [sflag:s2], $0x2000  }
0x22d: {  	s11 =	simm.s32 @!p0 $0x400;
	s7 =	rddreg [dreg:$0x12]  }
0x22e: {  	s16 =	simm.s32 @!p0 $0x4000;
	[sflag:s2] =	ssyncset.done @!p0 $0x0;
	s7 =	sadd.s32 @!p0 s3, s7  }
0x22f: {  	[sflag:s2] =	ssyncadd.s32 @!p0 $0xFFFFE000;
	s2 =	sshll.u32 @!p0 s7, $0x8;
	s7 =	sshrl.u32 @!p0 s7, $0x3  }
0x230: {  	s8 =	simm.s32 @!p0 $0x200;
	s2 =	sadd.s32 @!p0 s1, s2;
	s7 =	smul.u32 @!p0 $0x600, s7  }
0x231: {  	[tilespmem:s16], [sflag:$0x3] =	stream.strided.gather @!p0 [hbm4b:s2+s8], $0x2000, s11, s8, $0x38;
	[tilespmem:$0x16600] =	vst v63  }
0x232: {  	s2 =	rddreg [dreg:$0x1]  }
0x233: {  	s2 =	sadd.s32 @!p0 s2, s7;
	s7 =	simm.s32 @!p0 $0x13000  }
0x234: {  	[tilespmem:s7], [sflag:$0xB] =	stream.strided.gather @!p0 [hbm4b:s2+s8], $0x1800, s11, s8, $0x38;
	[tilespmem:$0x16600] =	vst v63  }
0x235: {  	s7 =	simm.s32 $0x8  }
0x236: {  	_ =	swait.ge [sflag:s7], $0x2000  }
0x237: {  	[sflag:s7] =	ssyncset.done $0x0  }
0x238: {  	[sflag:s7] =	ssyncadd.s32 $0xFFFFE000  }
0x239: {  	_ =	swait.ge [sflag:s4], $0x1800  }
0x23a: {  	[sflag:s4] =	ssyncset.done $0x0  }
0x23b: {  	s8 =	simm.s32 $0x0;
	[sflag:s4] =	ssyncadd.s32 $0xFFFFE800  }
0x23c: {  	v0 =	vld [tilespmem:s8+$0x16000];
	_ =	sdelay $0x3  }
0x23d: {  	s11 =	simm.s32 $0x0  }
0x23e: {  	s16 =	sand.u32 $0x70, s11;
	s2 =	sand.u32 $0x1E00, s11;
	v1 =	vshll.u32 v0, $0x2  }
0x23f: {  	s2 =	sor.u32 s16, s2;
	v0 =	vand.u32 $0x7F, v0;
	v1 =	vand.u32 $0xFFFFFE00, v1  }
0x240: {  	v2 =	vld [tilespmem:s2+$0x14800];
	v1 =	vor.u32 v0, v1  }
0x241: {  	s19 =	simm.s32 $0x10  }
0x242: {  	v0 =	vld [tilespmem:s19+$0x16000];
	_ =	sdelay $0x2  }
0x243: {  	s2 =	sadd.s32 $0x14800, s2;
	[tilespmem:v1+s25+$0x0] =	vst.idx.add.f32.msk $0xffff, v2  }
0x244: {  	s20 =	simm.s32 $0x10;
	s21 =	simm.s32 $0x40;
	v3 =	vor.u32 $0x80, v1;
	v2 =	vld [tilespmem:s2+$0x80]  }
0x245: {  	s22 =	simm.s32 $0x20;
	s7 =	sand.u32 $0x70, s20;
	s8 =	sand.u32 $0x1E00, s21;
	v4 =	vshll.u32 v0, $0x2  }
0x246: {  	v6 =	vld [tilespmem:s22+$0x16000];
	s7 =	sor.u32 s7, s8;
	v0 =	vand.u32 $0x7F, v0;
	v4 =	vand.u32 $0xFFFFFE00, v4  }
0x247: {  	v5 =	vld [tilespmem:s7+$0x14800];
	v0 =	vor.u32 v0, v4;
	_ =	sdelay $0x1  }
0x248: {  	[tilespmem:v3+s25+$0x0] =	vst.idx.add.f32.msk $0xffff, v2  }
0x249: {  	v3 =	vor.u32 $0x100, v1;
	v2 =	vld [tilespmem:s2+$0x100]  }
0x24a: {  	s28 =	simm.s32 $0x20;
	s30 =	simm.s32 $0x80;
	v7 =	vshll.u32 v6, $0x2  }
0x24b: {  	s11 =	sand.u32 $0x1E00, s30;
	s8 =	sand.u32 $0x70, s28;
	s7 =	sadd.s32 $0x14800, s7;
	v6 =	vand.u32 $0x7F, v6;
	v7 =	vand.u32 $0xFFFFFE00, v7;
	[tilespmem:v0+s25+$0x0] =	vst.idx.add.f32.msk $0xffff, v5  }
0x24c: {  	s8 =	sor.u32 s8, s11;
	v7 =	vor.u32 v6, v7;
	v6 =	vor.u32 $0x80, v0;
	v4 =	vld [tilespmem:s7+$0x80]  }
0x24d: {  	v5 =	vld [tilespmem:s8+$0x14800]  }
0x24e: {  	[tilespmem:v3+s25+$0x0] =	vst.idx.add.f32.msk $0xffff, v2  }
0x24f: {  	s19 =	simm.s32 $0x30;
	v3 =	vor.u32 $0x180, v1;
	v2 =	vld [tilespmem:s2+$0x180]  }
0x250: {  	s16 =	simm.s32 $0xC0;
	s11 =	simm.s32 $0x30;
	v8 =	vld [tilespmem:s19+$0x16000];
	v1 =	vmov v7;
	s2 =	simm.s32 $0x40  }
.LBB2_17:
0x251: {  	p1 =	sne.s32 s2, $0x5F0;
	[tilespmem:v6+s25+$0x0] =	vst.idx.add.f32.msk $0xffff, v4  }
0x252: {  	v10 =	vor.u32 $0x100, v0;
	v9 =	vld [tilespmem:s7+$0x100]  }
0x253: {  	[tilespmem:v7+s25+$0x0] =	vst.idx.add.f32.msk $0xffff, v5  }
0x254: {  	s11 =	sand.u32 $0x70, s11;
	s19 =	sand.u32 $0x1E00, s16;
	s20 =	sadd.s32 $0x14800, s8;
	[tilespmem:v3+s25+$0x0] =	vst.idx.add.f32.msk $0xffff, v2  }
.Ltmp9:
0x255: {  	v6 =	vor.u32 $0x80, v1;
	s8 =	sor.u32 s11, s19;
	s11 =	smov.u32 s2;
	v2 =	vshll.u32 v8, $0x2;
	v4 =	vld [tilespmem:s20+$0x80];
	(pc) =	sbr.rel @p1 .LBB2_17-.Ltmp9, $4  }
0x256: {  	v3 =	vand.u32 $0x7F, v8;
	v5 =	vld [tilespmem:s8+$0x14800];
	v2 =	vand.u32 $0xFFFFFE00, v2  }
0x257: {  	s16 =	sadd.s32 $0x40, s16;
	v7 =	vor.u32 v3, v2;
	[tilespmem:v10+s25+$0x0] =	vst.idx.add.f32.msk $0xffff, v9  }
0x258: {  	s19 =	sshra.s32 s16, $0x2;
	v3 =	vor.u32 $0x180, v0;
	v0 =	vmov v1;
	v2 =	vld [tilespmem:s7+$0x180];
	v1 =	vmov v7;
	s7 =	smov.u32 s20  }
0x259: {  	s2 =	sadd.s32 $0x10, s2;
	v8 =	vld [tilespmem:s19+$0x16000]  }
0x25a: {  	_ =	sdelay $0x3  }
0x25b: {  	s2 =	sand.u32 $0x70, s11;
	s28 =	sand.u32 $0x1E00, s16;
	v9 =	vshll.u32 v8, $0x2  }
0x25c: {  	s2 =	sor.u32 s2, s28;
	v52 =	vand.u32 $0x7F, v8;
	v9 =	vand.u32 $0xFFFFFE00, v9  }
0x25d: {  	v10 =	vld [tilespmem:s2+$0x14800];
	v8 =	vor.u32 v52, v9;
	_ =	sdelay $0x2  }
0x25e: {  	s8 =	sadd.s32 $0x14800, s8;
	[tilespmem:v7+s25+$0x0] =	vst.idx.add.f32.msk $0xffff, v5  }
0x25f: {  	v53 =	vor.u32 $0x80, v1;
	v5 =	vld [tilespmem:s8+$0x80]  }
0x260: {  	s2 =	sadd.s32 $0x14800, s2;
	[tilespmem:v8+s25+$0x0] =	vst.idx.add.f32.msk $0xffff, v10  }
0x261: {  	v55 =	vor.u32 $0x80, v8;
	v54 =	vld [tilespmem:s2+$0x80]  }
0x262: {  	[tilespmem:v6+s25+$0x0] =	vst.idx.add.f32.msk $0xffff, v4  }
0x263: {  	v57 =	vor.u32 $0x100, v0;
	v56 =	vld [tilespmem:s7+$0x100]  }
0x264: {  	[tilespmem:v53+s25+$0x0] =	vst.idx.add.f32.msk $0xffff, v5  }
0x265: {  	v58 =	vor.u32 $0x100, v1;
	v5 =	vld [tilespmem:s8+$0x100]  }
0x266: {  	[tilespmem:v55+s25+$0x0] =	vst.idx.add.f32.msk $0xffff, v54  }
0x267: {  	v59 =	vor.u32 $0x100, v8;
	v4 =	vld [tilespmem:s2+$0x100]  }
0x268: {  	[tilespmem:v57+s25+$0x0] =	vst.idx.add.f32.msk $0xffff, v56  }
0x269: {  	v60 =	vld [tilespmem:s7+$0x180]  }
0x26a: {  	[tilespmem:v58+s25+$0x0] =	vst.idx.add.f32.msk $0xffff, v5  }
0x26b: {  	v61 =	vor.u32 $0x180, v0;
	v7 =	vld [tilespmem:s8+$0x180]  }
0x26c: {  	v62 =	vor.u32 $0x180, v1;
	[tilespmem:v59+s25+$0x0] =	vst.idx.add.f32.msk $0xffff, v4  }
0x26d: {  	v63 =	vor.u32 $0x180, v8;
	v4 =	vld [tilespmem:s2+$0x180];
	_ =	sdelay $0x1  }
.Ltmp10:
0x26e: {  	[tilespmem:v3+s25+$0x0] =	vst.idx.add.f32.msk $0xffff, v2;
	(pc) =	sbr.rel @p0 .LBB2_20-.Ltmp10, $4  }
0x26f: {  	[tilespmem:v61+s25+$0x0] =	vst.idx.add.f32.msk $0xffff, v60  }
0x270: {  	[tilespmem:v62+s25+$0x0] =	vst.idx.add.f32.msk $0xffff, v7  }
0x271: {  	s30 =	sadd.s32 s5, s12;
	[tilespmem:v63+s25+$0x0] =	vst.idx.add.f32.msk $0xffff, v4  }
0x272: {  	[hbm4b:s30+s23] =	stream.strided.scatter [tilespmem:s25], [sflag:$0x14], $0x2000, s24, s23, $0x38;
	[tilespmem:$0x16600] =	vst v63  }
0x273: {  	s2 =	rddreg [dreg:$0x12];
	s7 =	simm.s32 $0x10  }
0x274: {  	s2 =	sadd.s32 s3, s2;
	_ =	swait.ge [sflag:s7], $0x2000  }
0x275: {  	s3 =	sshll.u32 s2, $0x8;
	[sflag:s7] =	ssyncset.done $0x0;
	s2 =	sshrl.u32 s2, $0x3  }
.Ltmp11:
0x276: {  	s28 =	rddreg [dreg:$0x9];
	s3 =	sand.u32 $0x1FFFE800, s3;
	(pc) =	sbr.rel .LBB2_2-.Ltmp11, $4  }
0x277: {  	[sflag:s7] =	ssyncadd.s32 $0xFFFFE000;
	s2 =	smul.u32 $0x600, s2;
	s3 =	sadd.s32 s3, s28  }
0x278: {  	[tilespmem:s31], [sflag:$0x4] =	stream.strided.gather [hbm4b:s3+s23], $0x2000, s24, s23, $0x38;
	[tilespmem:$0x16600] =	vst v63  }
0x279: {  	s30 =	simm.s32 $0x14800;
	s0 =	sadd.s32 $0x1, s0;
	s2 =	sadd.s32 s2, s13  }
0x27a: {  	[tilespmem:s30], [sflag:$0xC] =	stream.strided.gather [hbm4b:s2+s23], $0x1800, s24, s23, $0x38;
	[tilespmem:$0x16600] =	vst v63  }
.LBB2_21:
0x27b: {  	_ =	sfence.sel $0x180000  }
0x27c: {  	[bflag:$0x0] =	sbarrier.arrive $0xFFFF  }
0x27d: {  	_ =	strace $0x90000047  }
0x27e: {  	s0 =	stileid.u32;
	[bflag:$0x2] =	sbarrier.arrive $0xFFFF  }
0x27f: {  	p0 =	sne.s32 s0, $0x0;
	s0 =	rddreg [dreg:$0x4]  }
0x280: {  	s0 =	sadd.s32 @!p0 $0x100000, s0  }
0x281: {  	[sflag:s0] =	ssyncadd.tile.s32 @!p0 $0x1;
	_ =	shalt  }
.Lfunc_end2:
_tile_overlayer_lowered:
.L_overlay_start_2:
0x282: {  	(tag) =	ssettag $0x2  }
0x283: {  	s0 =	rddreg [dreg:$0x0];
	s2 =	stileid.u32  }
0x284: {  	s1 =	rddreg [dreg:$0x1];
	p0 =	sne.s32 s2, $0x0  }
0x285: {  	s3 =	rddreg [dreg:$0x2];
	[bflag:$0x3] =	sbarrier.arrive $0xFFFF;
	s2 =	simm.s32 @!p0 $0x1C15  }
0x286: {  	[timem:s3], [sflag:s2] =	dma.local @!p0 [hbm:s0], s1  }
0x287: {  	s0 =	simm.s32 @!p0 $0x15  }
0x288: {  	_ =	swait.ge @!p0 [sflag:s0], s1  }
0x289: {  	s1 =	ssub.s32 @!p0 $0x0, s1;
	[sflag:s0] =	ssyncset.done @!p0 $0x0  }
0x28a: {  	[sflag:s0] =	ssyncadd.s32 @!p0 s1  }
0x28b: {  	[bflag:$0x3] =	sbarrier.arrive $0xFFFF  }
0x28c: {  	_ =	shalt  }

</sc_bundles>
